<compile_context>
chip_gen: v7x
topology: tpu7x:2x2x1
jax: 0.10.2.dev20260603
libtpu: 0.0.44.dev20260713+nightly
codegen_flags: <defaults>
</compile_context>

<pallas_src>
import jax
import jax.numpy as jnp
from jax import lax
from jax.experimental import pallas as pl
from jax.experimental.pallas import tpu as pltpu
from jax.experimental.pallas import tpu_sc as plsc

N, E, D, H, R = 10000, 320000, 128, 128, 16

NC, NS, LANES = 2, 16, 16
NW = NC * NS
CHUNK = 128
CPW0 = 112
CPW1 = 48
E_PAD = NS * (CPW0 + CPW1) * CHUNK
NPAD = 10112
RPT = NPAD // NS


_BT = 2000


def _transform_body(nf_ref, rw_ref, out_ref):
    out_ref[0] = jnp.dot(nf_ref[...], rw_ref[0], preferred_element_type=jnp.float32)


def _transform(node_feats, rel_weights, interpret=False):
    nb = pl.cdiv(N, _BT)
    return pl.pallas_call(
        _transform_body,
        grid=(R, nb),
        in_specs=[
            pl.BlockSpec((_BT, D), lambda r, i: (i, 0)),
            pl.BlockSpec((1, D, H), lambda r, i: (r, 0, 0)),
        ],
        out_specs=pl.BlockSpec((1, _BT, H), lambda r, i: (r, i, 0)),
        out_shape=jax.ShapeDtypeStruct((R, N, H), jnp.float32),
        interpret=interpret,
    )(node_feats, rel_weights)


def _sc_agg_body(table, src, ety, dst, sum_out, cnt_out,
                 src_v0, ety_v0, dst_v0, gidx_v0,
                 src_v1, ety_v1, dst_v1, gidx_v1,
                 rows_v0, rows_v1, cnt_hist, ssum, semg0, semg1):
    cid = lax.axis_index("c")
    sid = lax.axis_index("s")
    w = cid * NS + sid
    bufs = ((src_v0, ety_v0, dst_v0, gidx_v0, rows_v0, semg0),
            (src_v1, ety_v1, dst_v1, gidx_v1, rows_v1, semg1))

    zero16f = jnp.zeros((LANES,), jnp.float32)
    one16f = jnp.ones((LANES,), jnp.float32)

    def zero_row(i, carry):
        for t in range(H // LANES):
            rows_v0[i, pl.ds(t * LANES, LANES)] = zero16f
        return carry

    lax.fori_loop(0, CHUNK, zero_row, 0)

    def zero_hist(i, carry):
        cnt_hist[pl.ds(i * LANES, LANES)] = zero16f
        return carry

    lax.fori_loop(0, NPAD // LANES, zero_hist, 0)

    for k in range(RPT // CHUNK):
        base = sid * RPT + k * CHUNK
        pltpu.sync_copy(rows_v0, ssum.at[pl.ds(base, CHUNK)])
    rem = RPT % CHUNK
    if rem:
        base = sid * RPT + (RPT // CHUNK) * CHUNK
        pltpu.sync_copy(rows_v0.at[pl.ds(0, rem)], ssum.at[pl.ds(base, rem)])
    plsc.subcore_barrier()

    cpw = jnp.where(cid == 0, CPW0, CPW1)
    ebase = jnp.where(cid == 0, sid * (CPW0 * CHUNK),
                      NS * (CPW0 * CHUNK) + sid * (CPW1 * CHUNK))

    def load_and_start(j, b):
        sv, ev, dv, gv, rv, sg = bufs[b]
        off = ebase + j * CHUNK
        pltpu.sync_copy(src.at[pl.ds(off, CHUNK)], sv)
        pltpu.sync_copy(ety.at[pl.ds(off, CHUNK)], ev)
        pltpu.sync_copy(dst.at[pl.ds(off, CHUNK)], dv)
        for t in range(CHUNK // LANES):
            s16 = sv[pl.ds(t * LANES, LANES)]
            e16 = ev[pl.ds(t * LANES, LANES)]
            gv[pl.ds(t * LANES, LANES)] = e16 * N + s16
        half = CHUNK // 2
        pltpu.async_copy(table.at[gv.at[pl.ds(0, half)]], rv.at[pl.ds(0, half)], sg)
        pltpu.async_copy(table.at[gv.at[pl.ds(half, half)]], rv.at[pl.ds(half, half)], sg)

    @pl.when(cpw >= 1)
    def _():
        load_and_start(0, 0)

    def outer(jo, carry):
        for b in range(2):
            j = 2 * jo + b
            sv, ev, dv, gv, rv, sg = bufs[b]

            @pl.when(j + 1 <= cpw - 1)
            def _():
                load_and_start(j + 1, 1 - b)

            half = CHUNK // 2
            pltpu.make_async_copy(table.at[gv.at[pl.ds(0, half)]],
                                  rv.at[pl.ds(0, half)], sg).wait()
            pltpu.make_async_copy(table.at[gv.at[pl.ds(half, half)]],
                                  rv.at[pl.ds(half, half)], sg).wait()
            pltpu.sync_copy(rv, ssum.at[dv], add=True)
            for t in range(CHUNK // LANES):
                plsc.addupdate_scatter(cnt_hist, [dv[pl.ds(t * LANES, LANES)]], one16f)
        return carry

    lax.fori_loop(0, cpw // 2, outer, 0)
    plsc.subcore_barrier()

    rbase = sid * RPT
    obase = cid * NPAD + sid * RPT
    pltpu.sync_copy(ssum.at[pl.ds(rbase, RPT)], sum_out.at[pl.ds(obase, RPT)])
    pltpu.sync_copy(cnt_hist, cnt_out.at[pl.ds(w * NPAD, NPAD)])


import functools


@functools.lru_cache(maxsize=None)
def _make_sc_agg():
    return pl.kernel(
        _sc_agg_body,
        out_type=(
            jax.ShapeDtypeStruct((NC * NPAD, H), jnp.float32),
            jax.ShapeDtypeStruct((NW * NPAD,), jnp.float32),
        ),
        mesh=plsc.VectorSubcoreMesh(
            core_axis_name="c", subcore_axis_name="s", num_cores=NC, num_subcores=NS
        ),
        scratch_types=[
            pltpu.VMEM((CHUNK,), jnp.int32),
            pltpu.VMEM((CHUNK,), jnp.int32),
            pltpu.VMEM((CHUNK,), jnp.int32),
            pltpu.VMEM((CHUNK,), jnp.int32),
            pltpu.VMEM((CHUNK,), jnp.int32),
            pltpu.VMEM((CHUNK,), jnp.int32),
            pltpu.VMEM((CHUNK,), jnp.int32),
            pltpu.VMEM((CHUNK,), jnp.int32),
            pltpu.VMEM((CHUNK, H), jnp.float32),
            pltpu.VMEM((CHUNK, H), jnp.float32),
            pltpu.VMEM((NPAD,), jnp.float32),
            pltpu.VMEM_SHARED((NPAD, H), jnp.float32),
            pltpu.SemaphoreType.DMA,
            pltpu.SemaphoreType.DMA,
        ],
        compiler_params=pltpu.CompilerParams(needs_layout_passes=False),
    )


_BF = NPAD


def _final_body(s0_ref, s1_ref, c_ref, nf_ref, w_ref, b_ref, out_ref):
    ones_nw = jnp.ones((NW, 1), jnp.float32)
    cnt = lax.dot_general(c_ref[...], ones_nw, (((0,), (0,)), ((), ())),
                          preferred_element_type=jnp.float32)
    cnt = jnp.maximum(cnt, 1.0)
    mean = (s0_ref[...] + s1_ref[...]) / cnt
    lin = jnp.dot(nf_ref[...], w_ref[...], preferred_element_type=jnp.float32) + b_ref[...]
    out_ref[...] = jnp.tanh(mean + lin)


def _final(sums, cnts, node_feats, lin_w, lin_b2, interpret=False):
    nb = pl.cdiv(N, _BF)
    off = NPAD // _BF
    return pl.pallas_call(
        _final_body,
        grid=(nb,),
        in_specs=[
            pl.BlockSpec((_BF, H), lambda i: (i, 0)),
            pl.BlockSpec((_BF, H), lambda i, o=off: (i + o, 0)),
            pl.BlockSpec((NW, _BF), lambda i: (0, i)),
            pl.BlockSpec((_BF, D), lambda i: (i, 0)),
            pl.BlockSpec((D, H), lambda i: (0, 0)),
            pl.BlockSpec((1, H), lambda i: (0, 0)),
        ],
        out_specs=pl.BlockSpec((_BF, H), lambda i: (i, 0)),
        out_shape=jax.ShapeDtypeStruct((N, H), jnp.float32),
        interpret=interpret,
    )(sums, sums, cnts, node_feats, lin_w, lin_b2)


def kernel(node_feats, edge_index, edge_types, rel_weights, lin_w, lin_b):
    src = edge_index[0]
    dst = edge_index[1]
    pad = E_PAD - E
    src_p = jnp.concatenate([src, jnp.zeros((pad,), jnp.int32)])
    ety_p = jnp.concatenate([edge_types, jnp.zeros((pad,), jnp.int32)])
    dummy_dst = N + jnp.arange(pad, dtype=jnp.int32) % (NPAD - N)
    dst_p = jnp.concatenate([dst, dummy_dst])

    table = _transform(node_feats, rel_weights).reshape(R * N, H)
    sums, cnts = _make_sc_agg()(table, src_p, ety_p, dst_p)
    return _final(sums, cnts.reshape(NW, NPAD), node_feats, lin_w,
                  lin_b.reshape(1, H))

# --- scband reference (transcript-rebuilt; emitter-appended) ---
"""Pipeline reference for scband-comp-gcnlayer-57836029608130 (READ-ONLY COPY).

The authoritative reference and input builder live on the scoring server;
editing this copy changes nothing except your own understanding.
"""

import jax, jax.numpy as jnp
import numpy as np

N, E, D, H, R = 10000, 320000, 128, 128, 16


def setup_inputs(seed: int = 0) -> dict:
    key = jax.random.key(seed)
    ks = jax.random.split(key, 6)
    node_feats = jax.random.normal(ks[0], (N, D), dtype=jnp.float32)
    edge_index = jax.random.randint(ks[1], (2, E), 0, N, dtype=jnp.int32)
    edge_types = jax.random.randint(ks[2], (E,), 0, R, dtype=jnp.int32)
    # learned parameters
    rel_weights = jax.random.normal(ks[3], (R, D, H), dtype=jnp.float32) * 0.05
    lin_w = jax.random.normal(ks[4], (D, H), dtype=jnp.float32) * 0.05
    lin_b = jnp.zeros((H,), dtype=jnp.float32)
    return {
        'node_feats': node_feats,
        'edge_index': edge_index,
        'edge_types': edge_types,
        'rel_weights': rel_weights,
        'lin_w': lin_w,
        'lin_b': lin_b,
    }


def reference(node_feats, edge_index, edge_types, rel_weights, lin_w, lin_b):
    # dropout p=0.0 -> identity (eval semantics)
    src = edge_index[0]
    dst = edge_index[1]
    n = node_feats.shape[0]
    # msg_e = h_src[e] @ rel_weights[etype[e]]
    # computed equivalently as per-relation transform then gather (avoids
    # materializing [E, D, H] gathered weight tensor):
    transformed = jnp.einsum('nd,rdh->rnh', node_feats, rel_weights)  # [R, N, H]
    msg = transformed[edge_types, src]  # [E, H] gather
    # dgl.function.mean over incoming edges per dst node (0 for isolated nodes)
    summed = jax.ops.segment_sum(msg, dst, num_segments=n)
    count = jax.ops.segment_sum(jnp.ones((msg.shape[0],), msg.dtype), dst, num_segments=n)
    mean_msg = summed / jnp.maximum(count, 1.0)[:, None]
    lin = node_feats @ lin_w + lin_b
    return jnp.tanh(mean_msg + lin)

if __name__ == "__main__":
    import jax
    _d = setup_inputs()
    print(jax.jit(kernel)(*tuple(_d.values())))

</pallas_src>

<mosaic_0001>
#map = affine_map<(d0, d1) -> (0, 0)>
#map1 = affine_map<(d0, d1) -> (0)>
module attributes {stable_mosaic.version = 14 : i64} {
  func.func @_sc_agg_body(%arg0: i32, %arg1: i32, %arg2: memref<160000x128xf32, #tpu.memory_space<hbm>>, %arg3: memref<327680xi32, #tpu.memory_space<hbm>>, %arg4: memref<327680xi32, #tpu.memory_space<hbm>>, %arg5: memref<327680xi32, #tpu.memory_space<hbm>>, %arg6: memref<20224x128xf32, #tpu.memory_space<hbm>>, %arg7: memref<323584xf32, #tpu.memory_space<hbm>>, %arg8: memref<128xi32, #tpu.memory_space<vmem>>, %arg9: memref<128xi32, #tpu.memory_space<vmem>>, %arg10: memref<128xi32, #tpu.memory_space<vmem>>, %arg11: memref<128xi32, #tpu.memory_space<vmem>>, %arg12: memref<128xi32, #tpu.memory_space<vmem>>, %arg13: memref<128xi32, #tpu.memory_space<vmem>>, %arg14: memref<128xi32, #tpu.memory_space<vmem>>, %arg15: memref<128xi32, #tpu.memory_space<vmem>>, %arg16: memref<128x128xf32, #tpu.memory_space<vmem>>, %arg17: memref<128x128xf32, #tpu.memory_space<vmem>>, %arg18: memref<10112xf32, #tpu.memory_space<vmem>>, %arg19: memref<10112x128xf32, #tpu.memory_space<vmem_shared>>, %arg20: memref<!tpu.dma_semaphore, #tpu.memory_space<semaphore_mem>>, %arg21: memref<!tpu.dma_semaphore, #tpu.memory_space<semaphore_mem>>) attributes {dimension_semantics = [#tpu.dimension_semantics<core_parallel>, #tpu.dimension_semantics<subcore_parallel>], iteration_bounds = array<i64: 2, 16>, scalar_prefetch = 0 : i64, scratch_operands = 14 : i64, tpu.core_type = #tpu.core_type<sc_vector_subcore>, window_params = [{transform_indices = #map}, {transform_indices = #map1}, {transform_indices = #map1}, {transform_indices = #map1}, {transform_indices = #map}, {transform_indices = #map1}]} {
    %mul3A = arith.constant 16 : i32
    %mul3A_0 = arith.muli %arg0, %mul3A : i32
    %add3A = arith.addi %mul3A_0, %arg1 : i32
    %broadcast_in_dim3A = arith.constant 0.000000e+00 : f32
    %broadcast_in_dim3A_1 = vector.broadcast %broadcast_in_dim3A : f32 to vector<16xf32>
    %broadcast_in_dim3A_2 = arith.constant 1.000000e+00 : f32
    %broadcast_in_dim3A_3 = vector.broadcast %broadcast_in_dim3A_2 : f32 to vector<16xf32>
    %scan3A = arith.constant 0 : i32
    %scan3A_4 = arith.constant 0 : i32
    %scan3A_5 = arith.constant 128 : i32
    %scan3A_6 = arith.addi %scan3A_4, %scan3A_5 : i32
    %scan3A_7 = arith.constant 1 : i32
    scf.for %scan3A_85 = %scan3A_4 to %scan3A_6 step %scan3A_7  : i32 {
      %swap3A = arith.index_cast %scan3A_85 : i32 to index
      %swap3A_86 = arith.constant 0 : index
      %swap3A_87 = tpu.vector_load %arg16[%swap3A, %swap3A_86] {strides = array<i32>} : memref<128x128xf32, #tpu.memory_space<vmem>>, vector<16xf32>,
      tpu.vector_store %arg16[%swap3A, %swap3A_86], %broadcast_in_dim3A_1 {strides = array<i32>} : memref<128x128xf32, #tpu.memory_space<vmem>>, vector<16xf32>,
      %swap3A_88 = arith.index_cast %scan3A_85 : i32 to index
      %swap3A_89 = arith.constant 16 : index
      %swap3A_90 = tpu.vector_load %arg16[%swap3A_88, %swap3A_89] {strides = array<i32>} : memref<128x128xf32, #tpu.memory_space<vmem>>, vector<16xf32>,
      tpu.vector_store %arg16[%swap3A_88, %swap3A_89], %broadcast_in_dim3A_1 {strides = array<i32>} : memref<128x128xf32, #tpu.memory_space<vmem>>, vector<16xf32>,
      %swap3A_91 = arith.index_cast %scan3A_85 : i32 to index
      %swap3A_92 = arith.constant 32 : index
      %swap3A_93 = tpu.vector_load %arg16[%swap3A_91, %swap3A_92] {strides = array<i32>} : memref<128x128xf32, #tpu.memory_space<vmem>>, vector<16xf32>,
      tpu.vector_store %arg16[%swap3A_91, %swap3A_92], %broadcast_in_dim3A_1 {strides = array<i32>} : memref<128x128xf32, #tpu.memory_space<vmem>>, vector<16xf32>,
      %swap3A_94 = arith.index_cast %scan3A_85 : i32 to index
      %swap3A_95 = arith.constant 48 : index
      %swap3A_96 = tpu.vector_load %arg16[%swap3A_94, %swap3A_95] {strides = array<i32>} : memref<128x128xf32, #tpu.memory_space<vmem>>, vector<16xf32>,
      tpu.vector_store %arg16[%swap3A_94, %swap3A_95], %broadcast_in_dim3A_1 {strides = array<i32>} : memref<128x128xf32, #tpu.memory_space<vmem>>, vector<16xf32>,
      %swap3A_97 = arith.index_cast %scan3A_85 : i32 to index
      %swap3A_98 = arith.constant 64 : index
      %swap3A_99 = tpu.vector_load %arg16[%swap3A_97, %swap3A_98] {strides = array<i32>} : memref<128x128xf32, #tpu.memory_space<vmem>>, vector<16xf32>,
      tpu.vector_store %arg16[%swap3A_97, %swap3A_98], %broadcast_in_dim3A_1 {strides = array<i32>} : memref<128x128xf32, #tpu.memory_space<vmem>>, vector<16xf32>,
      %swap3A_100 = arith.index_cast %scan3A_85 : i32 to index
      %swap3A_101 = arith.constant 80 : index
      %swap3A_102 = tpu.vector_load %arg16[%swap3A_100, %swap3A_101] {strides = array<i32>} : memref<128x128xf32, #tpu.memory_space<vmem>>, vector<16xf32>,
      tpu.vector_store %arg16[%swap3A_100, %swap3A_101], %broadcast_in_dim3A_1 {strides = array<i32>} : memref<128x128xf32, #tpu.memory_space<vmem>>, vector<16xf32>,
      %swap3A_103 = arith.index_cast %scan3A_85 : i32 to index
      %swap3A_104 = arith.constant 96 : index
      %swap3A_105 = tpu.vector_load %arg16[%swap3A_103, %swap3A_104] {strides = array<i32>} : memref<128x128xf32, #tpu.memory_space<vmem>>, vector<16xf32>,
      tpu.vector_store %arg16[%swap3A_103, %swap3A_104], %broadcast_in_dim3A_1 {strides = array<i32>} : memref<128x128xf32, #tpu.memory_space<vmem>>, vector<16xf32>,
      %swap3A_106 = arith.index_cast %scan3A_85 : i32 to index
      %swap3A_107 = arith.constant 112 : index
      %swap3A_108 = tpu.vector_load %arg16[%swap3A_106, %swap3A_107] {strides = array<i32>} : memref<128x128xf32, #tpu.memory_space<vmem>>, vector<16xf32>,
      tpu.vector_store %arg16[%swap3A_106, %swap3A_107], %broadcast_in_dim3A_1 {strides = array<i32>} : memref<128x128xf32, #tpu.memory_space<vmem>>, vector<16xf32>,
    }
    %scan3A_8 = arith.constant 128 : i32
    %scan3A_9 = arith.constant 0 : i32
    %scan3A_10 = arith.constant 0 : i32
    %scan3A_11 = arith.constant 632 : i32
    %scan3A_12 = arith.addi %scan3A_10, %scan3A_11 : i32
    %scan3A_13 = arith.constant 1 : i32
    scf.for %scan3A_85 = %scan3A_10 to %scan3A_12 step %scan3A_13  : i32 {
      %mul3A_86 = arith.constant 16 : i32
      %mul3A_87 = arith.muli %scan3A_85, %mul3A_86 : i32
      %swap3A = arith.index_cast %mul3A_87 : i32 to index
      %swap3A_88 = tpu.vector_load %arg18[%swap3A] {strides = array<i32>} : memref<10112xf32, #tpu.memory_space<vmem>>, vector<16xf32>,
      tpu.vector_store %arg18[%swap3A], %broadcast_in_dim3A_1 {strides = array<i32>} : memref<10112xf32, #tpu.memory_space<vmem>>, vector<16xf32>,
    }
    %scan3A_14 = arith.constant 632 : i32
    %mul3A_15 = arith.constant 632 : i32
    %mul3A_16 = arith.muli %arg1, %mul3A_15 : i32
    %add3A_17 = arith.constant 0 : i32
    %add3A_18 = arith.addi %mul3A_16, %add3A_17 : i32
    "tpu.region"() ({
      %run_scoped3A = tpu.sem_alloc : memref<!tpu.dma_semaphore, #tpu.memory_space<semaphore_mem>>
      %dma_start3A = arith.constant 0 : i32
      %dma_start3A_85 = tpu.memref_slice %arg19[%add3A_18, %dma_start3A] : memref<10112x128xf32, #tpu.memory_space<vmem_shared>> -> memref<128x128xf32, #tpu.memory_space<vmem_shared>>
      %dma_start3A_86 = arith.constant 0 : i32
      %dma_start3A_87 = tpu.memref_slice %arg19[%add3A_18, %dma_start3A_86] : memref<10112x128xf32, #tpu.memory_space<vmem_shared>> -> memref<128x128xf32, #tpu.memory_space<vmem_shared>>
      tpu.enqueue_dma source(%arg16 : memref<128x128xf32, #tpu.memory_space<vmem>>) target(%dma_start3A_87 : memref<128x128xf32, #tpu.memory_space<vmem_shared>>) target_semaphore(%run_scoped3A : memref<!tpu.dma_semaphore, #tpu.memory_space<semaphore_mem>>)
      %dma_wait3A = arith.constant 0 : i32
      %dma_wait3A_88 = tpu.memref_slice %arg19[%add3A_18, %dma_wait3A] : memref<10112x128xf32, #tpu.memory_space<vmem_shared>> -> memref<128x128xf32, #tpu.memory_space<vmem_shared>>
      %dma_wait3A_89 = arith.constant 0 : i32
      %dma_wait3A_90 = tpu.memref_slice %arg19[%add3A_18, %dma_wait3A_89] : memref<10112x128xf32, #tpu.memory_space<vmem_shared>> -> memref<128x128xf32, #tpu.memory_space<vmem_shared>>
      tpu.wait_dma2 semaphore(%run_scoped3A : memref<!tpu.dma_semaphore, #tpu.memory_space<semaphore_mem>>) src(%arg16 : memref<128x128xf32, #tpu.memory_space<vmem>>) dst(%dma_wait3A_90 : memref<128x128xf32, #tpu.memory_space<vmem_shared>>)
      tpu.yield
    }) : () -> ()
    %mul3A_19 = arith.constant 632 : i32
    %mul3A_20 = arith.muli %arg1, %mul3A_19 : i32
    %add3A_21 = arith.constant 128 : i32
    %add3A_22 = arith.addi %mul3A_20, %add3A_21 : i32
    "tpu.region"() ({
      %run_scoped3A = tpu.sem_alloc : memref<!tpu.dma_semaphore, #tpu.memory_space<semaphore_mem>>
      %dma_start3A = arith.constant 0 : i32
      %dma_start3A_85 = tpu.memref_slice %arg19[%add3A_22, %dma_start3A] : memref<10112x128xf32, #tpu.memory_space<vmem_shared>> -> memref<128x128xf32, #tpu.memory_space<vmem_shared>>
      %dma_start3A_86 = arith.constant 0 : i32
      %dma_start3A_87 = tpu.memref_slice %arg19[%add3A_22, %dma_start3A_86] : memref<10112x128xf32, #tpu.memory_space<vmem_shared>> -> memref<128x128xf32, #tpu.memory_space<vmem_shared>>
      tpu.enqueue_dma source(%arg16 : memref<128x128xf32, #tpu.memory_space<vmem>>) target(%dma_start3A_87 : memref<128x128xf32, #tpu.memory_space<vmem_shared>>) target_semaphore(%run_scoped3A : memref<!tpu.dma_semaphore, #tpu.memory_space<semaphore_mem>>)
      %dma_wait3A = arith.constant 0 : i32
      %dma_wait3A_88 = tpu.memref_slice %arg19[%add3A_22, %dma_wait3A] : memref<10112x128xf32, #tpu.memory_space<vmem_shared>> -> memref<128x128xf32, #tpu.memory_space<vmem_shared>>
      %dma_wait3A_89 = arith.constant 0 : i32
      %dma_wait3A_90 = tpu.memref_slice %arg19[%add3A_22, %dma_wait3A_89] : memref<10112x128xf32, #tpu.memory_space<vmem_shared>> -> memref<128x128xf32, #tpu.memory_space<vmem_shared>>
      tpu.wait_dma2 semaphore(%run_scoped3A : memref<!tpu.dma_semaphore, #tpu.memory_space<semaphore_mem>>) src(%arg16 : memref<128x128xf32, #tpu.memory_space<vmem>>) dst(%dma_wait3A_90 : memref<128x128xf32, #tpu.memory_space<vmem_shared>>)
      tpu.yield
    }) : () -> ()
    %mul3A_23 = arith.constant 632 : i32
    %mul3A_24 = arith.muli %arg1, %mul3A_23 : i32
    %add3A_25 = arith.constant 256 : i32
    %add3A_26 = arith.addi %mul3A_24, %add3A_25 : i32
    "tpu.region"() ({
      %run_scoped3A = tpu.sem_alloc : memref<!tpu.dma_semaphore, #tpu.memory_space<semaphore_mem>>
      %dma_start3A = arith.constant 0 : i32
      %dma_start3A_85 = tpu.memref_slice %arg19[%add3A_26, %dma_start3A] : memref<10112x128xf32, #tpu.memory_space<vmem_shared>> -> memref<128x128xf32, #tpu.memory_space<vmem_shared>>
      %dma_start3A_86 = arith.constant 0 : i32
      %dma_start3A_87 = tpu.memref_slice %arg19[%add3A_26, %dma_start3A_86] : memref<10112x128xf32, #tpu.memory_space<vmem_shared>> -> memref<128x128xf32, #tpu.memory_space<vmem_shared>>
      tpu.enqueue_dma source(%arg16 : memref<128x128xf32, #tpu.memory_space<vmem>>) target(%dma_start3A_87 : memref<128x128xf32, #tpu.memory_space<vmem_shared>>) target_semaphore(%run_scoped3A : memref<!tpu.dma_semaphore, #tpu.memory_space<semaphore_mem>>)
      %dma_wait3A = arith.constant 0 : i32
      %dma_wait3A_88 = tpu.memref_slice %arg19[%add3A_26, %dma_wait3A] : memref<10112x128xf32, #tpu.memory_space<vmem_shared>> -> memref<128x128xf32, #tpu.memory_space<vmem_shared>>
      %dma_wait3A_89 = arith.constant 0 : i32
      %dma_wait3A_90 = tpu.memref_slice %arg19[%add3A_26, %dma_wait3A_89] : memref<10112x128xf32, #tpu.memory_space<vmem_shared>> -> memref<128x128xf32, #tpu.memory_space<vmem_shared>>
      tpu.wait_dma2 semaphore(%run_scoped3A : memref<!tpu.dma_semaphore, #tpu.memory_space<semaphore_mem>>) src(%arg16 : memref<128x128xf32, #tpu.memory_space<vmem>>) dst(%dma_wait3A_90 : memref<128x128xf32, #tpu.memory_space<vmem_shared>>)
      tpu.yield
    }) : () -> ()
    %mul3A_27 = arith.constant 632 : i32
    %mul3A_28 = arith.muli %arg1, %mul3A_27 : i32
    %add3A_29 = arith.constant 384 : i32
    %add3A_30 = arith.addi %mul3A_28, %add3A_29 : i32
    "tpu.region"() ({
      %run_scoped3A = tpu.sem_alloc : memref<!tpu.dma_semaphore, #tpu.memory_space<semaphore_mem>>
      %dma_start3A = arith.constant 0 : i32
      %dma_start3A_85 = tpu.memref_slice %arg19[%add3A_30, %dma_start3A] : memref<10112x128xf32, #tpu.memory_space<vmem_shared>> -> memref<128x128xf32, #tpu.memory_space<vmem_shared>>
      %dma_start3A_86 = arith.constant 0 : i32
      %dma_start3A_87 = tpu.memref_slice %arg19[%add3A_30, %dma_start3A_86] : memref<10112x128xf32, #tpu.memory_space<vmem_shared>> -> memref<128x128xf32, #tpu.memory_space<vmem_shared>>
      tpu.enqueue_dma source(%arg16 : memref<128x128xf32, #tpu.memory_space<vmem>>) target(%dma_start3A_87 : memref<128x128xf32, #tpu.memory_space<vmem_shared>>) target_semaphore(%run_scoped3A : memref<!tpu.dma_semaphore, #tpu.memory_space<semaphore_mem>>)
      %dma_wait3A = arith.constant 0 : i32
      %dma_wait3A_88 = tpu.memref_slice %arg19[%add3A_30, %dma_wait3A] : memref<10112x128xf32, #tpu.memory_space<vmem_shared>> -> memref<128x128xf32, #tpu.memory_space<vmem_shared>>
      %dma_wait3A_89 = arith.constant 0 : i32
      %dma_wait3A_90 = tpu.memref_slice %arg19[%add3A_30, %dma_wait3A_89] : memref<10112x128xf32, #tpu.memory_space<vmem_shared>> -> memref<128x128xf32, #tpu.memory_space<vmem_shared>>
      tpu.wait_dma2 semaphore(%run_scoped3A : memref<!tpu.dma_semaphore, #tpu.memory_space<semaphore_mem>>) src(%arg16 : memref<128x128xf32, #tpu.memory_space<vmem>>) dst(%dma_wait3A_90 : memref<128x128xf32, #tpu.memory_space<vmem_shared>>)
      tpu.yield
    }) : () -> ()
    %mul3A_31 = arith.constant 632 : i32
    %mul3A_32 = arith.muli %arg1, %mul3A_31 : i32
    %add3A_33 = arith.constant 512 : i32
    %add3A_34 = arith.addi %mul3A_32, %add3A_33 : i32
    "tpu.region"() ({
      %run_scoped3A = tpu.sem_alloc : memref<!tpu.dma_semaphore, #tpu.memory_space<semaphore_mem>>
      %dma_start3A = arith.constant 0 : i32
      %dma_start3A_85 = arith.constant 0 : i32
      %dma_start3A_86 = tpu.memref_slice %arg16[%dma_start3A, %dma_start3A_85] : memref<128x128xf32, #tpu.memory_space<vmem>> -> memref<120x128xf32, #tpu.memory_space<vmem>>
      %dma_start3A_87 = arith.constant 0 : i32
      %dma_start3A_88 = tpu.memref_slice %arg19[%add3A_34, %dma_start3A_87] : memref<10112x128xf32, #tpu.memory_space<vmem_shared>> -> memref<120x128xf32, #tpu.memory_space<vmem_shared>>
      %dma_start3A_89 = arith.constant 0 : i32
      %dma_start3A_90 = tpu.memref_slice %arg19[%add3A_34, %dma_start3A_89] : memref<10112x128xf32, #tpu.memory_space<vmem_shared>> -> memref<120x128xf32, #tpu.memory_space<vmem_shared>>
      %dma_start3A_91 = arith.constant 0 : i32
      %dma_start3A_92 = arith.constant 0 : i32
      %dma_start3A_93 = tpu.memref_slice %arg16[%dma_start3A_91, %dma_start3A_92] : memref<128x128xf32, #tpu.memory_space<vmem>> -> memref<120x128xf32, #tpu.memory_space<vmem>>
      tpu.enqueue_dma source(%dma_start3A_93 : memref<120x128xf32, #tpu.memory_space<vmem>>) target(%dma_start3A_90 : memref<120x128xf32, #tpu.memory_space<vmem_shared>>) target_semaphore(%run_scoped3A : memref<!tpu.dma_semaphore, #tpu.memory_space<semaphore_mem>>)
      %dma_wait3A = arith.constant 0 : i32
      %dma_wait3A_94 = arith.constant 0 : i32
      %dma_wait3A_95 = tpu.memref_slice %arg16[%dma_wait3A, %dma_wait3A_94] : memref<128x128xf32, #tpu.memory_space<vmem>> -> memref<120x128xf32, #tpu.memory_space<vmem>>
      %dma_wait3A_96 = arith.constant 0 : i32
      %dma_wait3A_97 = tpu.memref_slice %arg19[%add3A_34, %dma_wait3A_96] : memref<10112x128xf32, #tpu.memory_space<vmem_shared>> -> memref<120x128xf32, #tpu.memory_space<vmem_shared>>
      %dma_wait3A_98 = arith.constant 0 : i32
      %dma_wait3A_99 = tpu.memref_slice %arg19[%add3A_34, %dma_wait3A_98] : memref<10112x128xf32, #tpu.memory_space<vmem_shared>> -> memref<120x128xf32, #tpu.memory_space<vmem_shared>>
      %dma_wait3A_100 = arith.constant 0 : i32
      %dma_wait3A_101 = arith.constant 0 : i32
      %dma_wait3A_102 = tpu.memref_slice %arg16[%dma_wait3A_100, %dma_wait3A_101] : memref<128x128xf32, #tpu.memory_space<vmem>> -> memref<120x128xf32, #tpu.memory_space<vmem>>
      tpu.wait_dma2 semaphore(%run_scoped3A : memref<!tpu.dma_semaphore, #tpu.memory_space<semaphore_mem>>) src(%dma_wait3A_102 : memref<120x128xf32, #tpu.memory_space<vmem>>) dst(%dma_wait3A_99 : memref<120x128xf32, #tpu.memory_space<vmem_shared>>)
      tpu.yield
    }) : () -> ()
    %barrier3A = arith.constant 0 : index
    tpu.barrier barrier_id(%barrier3A)
    %eq3A = arith.constant 0 : i32
    %eq3A_35 = arith.cmpi eq, %arg0, %eq3A : i32
    %jit3A = arith.constant 112 : i32
    %jit3A_36 = arith.constant 48 : i32
    %select_n3A = arith.select %eq3A_35, %jit3A, %jit3A_36 : i32
    %eq3A_37 = arith.constant 0 : i32
    %eq3A_38 = arith.cmpi eq, %arg0, %eq3A_37 : i32
    %mul3A_39 = arith.constant 14336 : i32
    %mul3A_40 = arith.muli %arg1, %mul3A_39 : i32
    %mul3A_41 = arith.constant 6144 : i32
    %mul3A_42 = arith.muli %arg1, %mul3A_41 : i32
    %add3A_43 = arith.constant 229376 : i32
    %add3A_44 = arith.addi %add3A_43, %mul3A_42 : i32
    %select_n3A_45 = arith.select %eq3A_38, %mul3A_40, %add3A_44 : i32
    %ge3A = arith.constant 1 : i32
    %ge3A_46 = arith.cmpi sge, %select_n3A, %ge3A : i32
    %convert_element_type3A = arith.extui %ge3A_46 : i1 to i32
    %cond3A = arith.constant 0 : i32
    %cond3A_47 = arith.cmpi ne, %convert_element_type3A, %cond3A : i32
    scf.if %cond3A_47 {
      %add3A_85 = arith.constant 0 : i32
      %add3A_86 = arith.addi %select_n3A_45, %add3A_85 : i32
      "tpu.region"() ({
        %run_scoped3A = tpu.sem_alloc : memref<!tpu.dma_semaphore, #tpu.memory_space<semaphore_mem>>
        %dma_start3A_180 = tpu.memref_slice %arg3[%add3A_86] : memref<327680xi32, #tpu.memory_space<hbm>> -> memref<128xi32, #tpu.memory_space<hbm>>
        %dma_start3A_181 = tpu.memref_slice %arg3[%add3A_86] : memref<327680xi32, #tpu.memory_space<hbm>> -> memref<128xi32, #tpu.memory_space<hbm>>
        tpu.enqueue_dma source(%dma_start3A_181 : memref<128xi32, #tpu.memory_space<hbm>>) target(%arg8 : memref<128xi32, #tpu.memory_space<vmem>>) target_semaphore(%run_scoped3A : memref<!tpu.dma_semaphore, #tpu.memory_space<semaphore_mem>>)
        %dma_wait3A = tpu.memref_slice %arg3[%add3A_86] : memref<327680xi32, #tpu.memory_space<hbm>> -> memref<128xi32, #tpu.memory_space<hbm>>
        %dma_wait3A_182 = tpu.memref_slice %arg3[%add3A_86] : memref<327680xi32, #tpu.memory_space<hbm>> -> memref<128xi32, #tpu.memory_space<hbm>>
        tpu.wait_dma2 semaphore(%run_scoped3A : memref<!tpu.dma_semaphore, #tpu.memory_space<semaphore_mem>>) src(%dma_wait3A_182 : memref<128xi32, #tpu.memory_space<hbm>>) dst(%arg8 : memref<128xi32, #tpu.memory_space<vmem>>)
        tpu.yield
      }) : () -> ()
      "tpu.region"() ({
        %run_scoped3A = tpu.sem_alloc : memref<!tpu.dma_semaphore, #tpu.memory_space<semaphore_mem>>
        %dma_start3A_180 = tpu.memref_slice %arg4[%add3A_86] : memref<327680xi32, #tpu.memory_space<hbm>> -> memref<128xi32, #tpu.memory_space<hbm>>
        %dma_start3A_181 = tpu.memref_slice %arg4[%add3A_86] : memref<327680xi32, #tpu.memory_space<hbm>> -> memref<128xi32, #tpu.memory_space<hbm>>
        tpu.enqueue_dma source(%dma_start3A_181 : memref<128xi32, #tpu.memory_space<hbm>>) target(%arg9 : memref<128xi32, #tpu.memory_space<vmem>>) target_semaphore(%run_scoped3A : memref<!tpu.dma_semaphore, #tpu.memory_space<semaphore_mem>>)
        %dma_wait3A = tpu.memref_slice %arg4[%add3A_86] : memref<327680xi32, #tpu.memory_space<hbm>> -> memref<128xi32, #tpu.memory_space<hbm>>
        %dma_wait3A_182 = tpu.memref_slice %arg4[%add3A_86] : memref<327680xi32, #tpu.memory_space<hbm>> -> memref<128xi32, #tpu.memory_space<hbm>>
        tpu.wait_dma2 semaphore(%run_scoped3A : memref<!tpu.dma_semaphore, #tpu.memory_space<semaphore_mem>>) src(%dma_wait3A_182 : memref<128xi32, #tpu.memory_space<hbm>>) dst(%arg9 : memref<128xi32, #tpu.memory_space<vmem>>)
        tpu.yield
      }) : () -> ()
      "tpu.region"() ({
        %run_scoped3A = tpu.sem_alloc : memref<!tpu.dma_semaphore, #tpu.memory_space<semaphore_mem>>
        %dma_start3A_180 = tpu.memref_slice %arg5[%add3A_86] : memref<327680xi32, #tpu.memory_space<hbm>> -> memref<128xi32, #tpu.memory_space<hbm>>
        %dma_start3A_181 = tpu.memref_slice %arg5[%add3A_86] : memref<327680xi32, #tpu.memory_space<hbm>> -> memref<128xi32, #tpu.memory_space<hbm>>
        tpu.enqueue_dma source(%dma_start3A_181 : memref<128xi32, #tpu.memory_space<hbm>>) target(%arg10 : memref<128xi32, #tpu.memory_space<vmem>>) target_semaphore(%run_scoped3A : memref<!tpu.dma_semaphore, #tpu.memory_space<semaphore_mem>>)
        %dma_wait3A = tpu.memref_slice %arg5[%add3A_86] : memref<327680xi32, #tpu.memory_space<hbm>> -> memref<128xi32, #tpu.memory_space<hbm>>
        %dma_wait3A_182 = tpu.memref_slice %arg5[%add3A_86] : memref<327680xi32, #tpu.memory_space<hbm>> -> memref<128xi32, #tpu.memory_space<hbm>>
        tpu.wait_dma2 semaphore(%run_scoped3A : memref<!tpu.dma_semaphore, #tpu.memory_space<semaphore_mem>>) src(%dma_wait3A_182 : memref<128xi32, #tpu.memory_space<hbm>>) dst(%arg10 : memref<128xi32, #tpu.memory_space<vmem>>)
        tpu.yield
      }) : () -> ()
      %get3A = arith.constant 0 : index
      %get3A_87 = tpu.vector_load %arg8[%get3A] {strides = array<i32>} : memref<128xi32, #tpu.memory_space<vmem>>, vector<16xi32>,
      %get3A_88 = arith.constant 0 : index
      %get3A_89 = tpu.vector_load %arg9[%get3A_88] {strides = array<i32>} : memref<128xi32, #tpu.memory_space<vmem>>, vector<16xi32>,
      %mul3A_90 = arith.constant 10000 : i32
      %mul3A_91 = vector.broadcast %mul3A_90 : i32 to vector<16xi32>
      %mul3A_92 = arith.muli %get3A_89, %mul3A_91 : vector<16xi32>
      %add3A_93 = arith.addi %mul3A_92, %get3A_87 : vector<16xi32>
      %swap3A = arith.constant 0 : index
      %swap3A_94 = tpu.vector_load %arg11[%swap3A] {strides = array<i32>} : memref<128xi32, #tpu.memory_space<vmem>>, vector<16xi32>,
      tpu.vector_store %arg11[%swap3A], %add3A_93 {strides = array<i32>} : memref<128xi32, #tpu.memory_space<vmem>>, vector<16xi32>,
      %get3A_95 = arith.constant 16 : index
      %get3A_96 = tpu.vector_load %arg8[%get3A_95] {strides = array<i32>} : memref<128xi32, #tpu.memory_space<vmem>>, vector<16xi32>,
      %get3A_97 = arith.constant 16 : index
      %get3A_98 = tpu.vector_load %arg9[%get3A_97] {strides = array<i32>} : memref<128xi32, #tpu.memory_space<vmem>>, vector<16xi32>,
      %mul3A_99 = arith.constant 10000 : i32
      %mul3A_100 = vector.broadcast %mul3A_99 : i32 to vector<16xi32>
      %mul3A_101 = arith.muli %get3A_98, %mul3A_100 : vector<16xi32>
      %add3A_102 = arith.addi %mul3A_101, %get3A_96 : vector<16xi32>
      %swap3A_103 = arith.constant 16 : index
      %swap3A_104 = tpu.vector_load %arg11[%swap3A_103] {strides = array<i32>} : memref<128xi32, #tpu.memory_space<vmem>>, vector<16xi32>,
      tpu.vector_store %arg11[%swap3A_103], %add3A_102 {strides = array<i32>} : memref<128xi32, #tpu.memory_space<vmem>>, vector<16xi32>,
      %get3A_105 = arith.constant 32 : index
      %get3A_106 = tpu.vector_load %arg8[%get3A_105] {strides = array<i32>} : memref<128xi32, #tpu.memory_space<vmem>>, vector<16xi32>,
      %get3A_107 = arith.constant 32 : index
      %get3A_108 = tpu.vector_load %arg9[%get3A_107] {strides = array<i32>} : memref<128xi32, #tpu.memory_space<vmem>>, vector<16xi32>,
      %mul3A_109 = arith.constant 10000 : i32
      %mul3A_110 = vector.broadcast %mul3A_109 : i32 to vector<16xi32>
      %mul3A_111 = arith.muli %get3A_108, %mul3A_110 : vector<16xi32>
      %add3A_112 = arith.addi %mul3A_111, %get3A_106 : vector<16xi32>
      %swap3A_113 = arith.constant 32 : index
      %swap3A_114 = tpu.vector_load %arg11[%swap3A_113] {strides = array<i32>} : memref<128xi32, #tpu.memory_space<vmem>>, vector<16xi32>,
      tpu.vector_store %arg11[%swap3A_113], %add3A_112 {strides = array<i32>} : memref<128xi32, #tpu.memory_space<vmem>>, vector<16xi32>,
      %get3A_115 = arith.constant 48 : index
      %get3A_116 = tpu.vector_load %arg8[%get3A_115] {strides = array<i32>} : memref<128xi32, #tpu.memory_space<vmem>>, vector<16xi32>,
      %get3A_117 = arith.constant 48 : index
      %get3A_118 = tpu.vector_load %arg9[%get3A_117] {strides = array<i32>} : memref<128xi32, #tpu.memory_space<vmem>>, vector<16xi32>,
      %mul3A_119 = arith.constant 10000 : i32
      %mul3A_120 = vector.broadcast %mul3A_119 : i32 to vector<16xi32>
      %mul3A_121 = arith.muli %get3A_118, %mul3A_120 : vector<16xi32>
      %add3A_122 = arith.addi %mul3A_121, %get3A_116 : vector<16xi32>
      %swap3A_123 = arith.constant 48 : index
      %swap3A_124 = tpu.vector_load %arg11[%swap3A_123] {strides = array<i32>} : memref<128xi32, #tpu.memory_space<vmem>>, vector<16xi32>,
      tpu.vector_store %arg11[%swap3A_123], %add3A_122 {strides = array<i32>} : memref<128xi32, #tpu.memory_space<vmem>>, vector<16xi32>,
      %get3A_125 = arith.constant 64 : index
      %get3A_126 = tpu.vector_load %arg8[%get3A_125] {strides = array<i32>} : memref<128xi32, #tpu.memory_space<vmem>>, vector<16xi32>,
      %get3A_127 = arith.constant 64 : index
      %get3A_128 = tpu.vector_load %arg9[%get3A_127] {strides = array<i32>} : memref<128xi32, #tpu.memory_space<vmem>>, vector<16xi32>,
      %mul3A_129 = arith.constant 10000 : i32
      %mul3A_130 = vector.broadcast %mul3A_129 : i32 to vector<16xi32>
      %mul3A_131 = arith.muli %get3A_128, %mul3A_130 : vector<16xi32>
      %add3A_132 = arith.addi %mul3A_131, %get3A_126 : vector<16xi32>
      %swap3A_133 = arith.constant 64 : index
      %swap3A_134 = tpu.vector_load %arg11[%swap3A_133] {strides = array<i32>} : memref<128xi32, #tpu.memory_space<vmem>>, vector<16xi32>,
      tpu.vector_store %arg11[%swap3A_133], %add3A_132 {strides = array<i32>} : memref<128xi32, #tpu.memory_space<vmem>>, vector<16xi32>,
      %get3A_135 = arith.constant 80 : index
      %get3A_136 = tpu.vector_load %arg8[%get3A_135] {strides = array<i32>} : memref<128xi32, #tpu.memory_space<vmem>>, vector<16xi32>,
      %get3A_137 = arith.constant 80 : index
      %get3A_138 = tpu.vector_load %arg9[%get3A_137] {strides = array<i32>} : memref<128xi32, #tpu.memory_space<vmem>>, vector<16xi32>,
      %mul3A_139 = arith.constant 10000 : i32
      %mul3A_140 = vector.broadcast %mul3A_139 : i32 to vector<16xi32>
      %mul3A_141 = arith.muli %get3A_138, %mul3A_140 : vector<16xi32>
      %add3A_142 = arith.addi %mul3A_141, %get3A_136 : vector<16xi32>
      %swap3A_143 = arith.constant 80 : index
      %swap3A_144 = tpu.vector_load %arg11[%swap3A_143] {strides = array<i32>} : memref<128xi32, #tpu.memory_space<vmem>>, vector<16xi32>,
      tpu.vector_store %arg11[%swap3A_143], %add3A_142 {strides = array<i32>} : memref<128xi32, #tpu.memory_space<vmem>>, vector<16xi32>,
      %get3A_145 = arith.constant 96 : index
      %get3A_146 = tpu.vector_load %arg8[%get3A_145] {strides = array<i32>} : memref<128xi32, #tpu.memory_space<vmem>>, vector<16xi32>,
      %get3A_147 = arith.constant 96 : index
      %get3A_148 = tpu.vector_load %arg9[%get3A_147] {strides = array<i32>} : memref<128xi32, #tpu.memory_space<vmem>>, vector<16xi32>,
      %mul3A_149 = arith.constant 10000 : i32
      %mul3A_150 = vector.broadcast %mul3A_149 : i32 to vector<16xi32>
      %mul3A_151 = arith.muli %get3A_148, %mul3A_150 : vector<16xi32>
      %add3A_152 = arith.addi %mul3A_151, %get3A_146 : vector<16xi32>
      %swap3A_153 = arith.constant 96 : index
      %swap3A_154 = tpu.vector_load %arg11[%swap3A_153] {strides = array<i32>} : memref<128xi32, #tpu.memory_space<vmem>>, vector<16xi32>,
      tpu.vector_store %arg11[%swap3A_153], %add3A_152 {strides = array<i32>} : memref<128xi32, #tpu.memory_space<vmem>>, vector<16xi32>,
      %get3A_155 = arith.constant 112 : index
      %get3A_156 = tpu.vector_load %arg8[%get3A_155] {strides = array<i32>} : memref<128xi32, #tpu.memory_space<vmem>>, vector<16xi32>,
      %get3A_157 = arith.constant 112 : index
      %get3A_158 = tpu.vector_load %arg9[%get3A_157] {strides = array<i32>} : memref<128xi32, #tpu.memory_space<vmem>>, vector<16xi32>,
      %mul3A_159 = arith.constant 10000 : i32
      %mul3A_160 = vector.broadcast %mul3A_159 : i32 to vector<16xi32>
      %mul3A_161 = arith.muli %get3A_158, %mul3A_160 : vector<16xi32>
      %add3A_162 = arith.addi %mul3A_161, %get3A_156 : vector<16xi32>
      %swap3A_163 = arith.constant 112 : index
      %swap3A_164 = tpu.vector_load %arg11[%swap3A_163] {strides = array<i32>} : memref<128xi32, #tpu.memory_space<vmem>>, vector<16xi32>,
      tpu.vector_store %arg11[%swap3A_163], %add3A_162 {strides = array<i32>} : memref<128xi32, #tpu.memory_space<vmem>>, vector<16xi32>,
      %dma_start3A = arith.constant 0 : i32
      %dma_start3A_165 = arith.constant 0 : i32
      %dma_start3A_166 = tpu.memref_slice %arg16[%dma_start3A, %dma_start3A_165] : memref<128x128xf32, #tpu.memory_space<vmem>> -> memref<64x128xf32, #tpu.memory_space<vmem>>
      %dma_start3A_167 = arith.constant 0 : i32
      %dma_start3A_168 = tpu.memref_slice %arg11[%dma_start3A_167] : memref<128xi32, #tpu.memory_space<vmem>> -> memref<64xi32, #tpu.memory_space<vmem>>
      %dma_start3A_169 = arith.constant 0 : i32
      %dma_start3A_170 = arith.constant 0 : i32
      %dma_start3A_171 = tpu.memref_slice %arg2[%dma_start3A_169, %dma_start3A_170] : memref<160000x128xf32, #tpu.memory_space<hbm>> -> memref<160000x128xf32, #tpu.memory_space<hbm>>
      tpu.enqueue_indirect_dma source(%dma_start3A_171 : memref<160000x128xf32, #tpu.memory_space<hbm>>) target(%dma_start3A_166 : memref<64x128xf32, #tpu.memory_space<vmem>>) offsets(%dma_start3A_168 : memref<64xi32, #tpu.memory_space<vmem>>) semaphore(%arg20 : memref<!tpu.dma_semaphore, #tpu.memory_space<semaphore_mem>>)
      %dma_start3A_172 = arith.constant 64 : i32
      %dma_start3A_173 = arith.constant 0 : i32
      %dma_start3A_174 = tpu.memref_slice %arg16[%dma_start3A_172, %dma_start3A_173] : memref<128x128xf32, #tpu.memory_space<vmem>> -> memref<64x128xf32, #tpu.memory_space<vmem>>
      %dma_start3A_175 = arith.constant 64 : i32
      %dma_start3A_176 = tpu.memref_slice %arg11[%dma_start3A_175] : memref<128xi32, #tpu.memory_space<vmem>> -> memref<64xi32, #tpu.memory_space<vmem>>
      %dma_start3A_177 = arith.constant 0 : i32
      %dma_start3A_178 = arith.constant 0 : i32
      %dma_start3A_179 = tpu.memref_slice %arg2[%dma_start3A_177, %dma_start3A_178] : memref<160000x128xf32, #tpu.memory_space<hbm>> -> memref<160000x128xf32, #tpu.memory_space<hbm>>
      tpu.enqueue_indirect_dma source(%dma_start3A_179 : memref<160000x128xf32, #tpu.memory_space<hbm>>) target(%dma_start3A_174 : memref<64x128xf32, #tpu.memory_space<vmem>>) offsets(%dma_start3A_176 : memref<64xi32, #tpu.memory_space<vmem>>) semaphore(%arg20 : memref<!tpu.dma_semaphore, #tpu.memory_space<semaphore_mem>>)
    } else {
    }
    %jit3A_48 = arith.constant 2 : i32
    %div3A = arith.divsi %select_n3A, %jit3A_48 : i32
    %sign3A = arith.constant 0 : i32
    %sign3A_49 = arith.cmpi sgt, %select_n3A, %sign3A : i32
    %sign3A_50 = arith.extui %sign3A_49 : i1 to i32
    %sign3A_51 = arith.constant 0 : i32
    %sign3A_52 = arith.cmpi slt, %select_n3A, %sign3A_51 : i32
    %sign3A_53 = arith.extui %sign3A_52 : i1 to i32
    %sign3A_54 = arith.subi %sign3A_50, %sign3A_53 : i32
    %sign3A_55 = arith.constant 0 : i32
    %sign3A_56 = arith.cmpi sgt, %jit3A_48, %sign3A_55 : i32
    %sign3A_57 = arith.extui %sign3A_56 : i1 to i32
    %sign3A_58 = arith.constant 0 : i32
    %sign3A_59 = arith.cmpi slt, %jit3A_48, %sign3A_58 : i32
    %sign3A_60 = arith.extui %sign3A_59 : i1 to i32
    %sign3A_61 = arith.subi %sign3A_57, %sign3A_60 : i32
    %ne3A = arith.cmpi ne, %sign3A_54, %sign3A_61 : i32
    %rem3A = arith.remsi %select_n3A, %jit3A_48 : i32
    %ne3A_62 = arith.constant 0 : i32
    %ne3A_63 = arith.cmpi ne, %rem3A, %ne3A_62 : i32
    %and3A = arith.andi %ne3A, %ne3A_63 : i1
    %sub3A = arith.constant 1 : i32
    %sub3A_64 = arith.subi %div3A, %sub3A : i32
    %select_n3A_65 = arith.select %and3A, %sub3A_64, %div3A : i32
    %while3A = arith.constant 0 : i32
    %while3A_66 = arith.constant 0 : i32
    %while3A_67 = arith.subi %select_n3A_65, %while3A_66 : i32
    %while3A_68 = arith.addi %while3A_66, %while3A_67 : i32
    %while3A_69 = arith.constant 1 : i32
    %while3A_70 = arith.divsi %while3A_67, %while3A_69 : i32
    %while3A_71 = arith.muli %while3A_70, %while3A_69 : i32
    %while3A_72 = arith.addi %while3A_66, %while3A_71 : i32
    %while3A_73 = arith.constant 1 : i32
    scf.for %while3A_85 = %while3A_66 to %while3A_72 step %while3A_73  : i32 {
      %mul3A_86 = arith.constant 2 : i32
      %mul3A_87 = arith.muli %mul3A_86, %while3A_85 : i32
      %add3A_88 = arith.constant 0 : i32
      %add3A_89 = arith.addi %mul3A_87, %add3A_88 : i32
      %add3A_90 = arith.constant 1 : i32
      %add3A_91 = arith.addi %add3A_89, %add3A_90 : i32
      %sub3A_92 = arith.constant 1 : i32
      %sub3A_93 = arith.subi %select_n3A, %sub3A_92 : i32
      %le3A = arith.cmpi sle, %add3A_91, %sub3A_93 : i32
      %convert_element_type3A_94 = arith.extui %le3A : i1 to i32
      %cond3A_95 = arith.constant 0 : i32
      %cond3A_96 = arith.cmpi ne, %convert_element_type3A_94, %cond3A_95 : i32
      scf.if %cond3A_96 {
        %add3A_171 = arith.constant 1 : i32
        %add3A_172 = arith.addi %add3A_89, %add3A_171 : i32
        %mul3A_173 = arith.constant 128 : i32
        %mul3A_174 = arith.muli %add3A_172, %mul3A_173 : i32
        %add3A_175 = arith.addi %select_n3A_45, %mul3A_174 : i32
        "tpu.region"() ({
          %run_scoped3A = tpu.sem_alloc : memref<!tpu.dma_semaphore, #tpu.memory_space<semaphore_mem>>
          %dma_start3A_270 = tpu.memref_slice %arg3[%add3A_175] : memref<327680xi32, #tpu.memory_space<hbm>> -> memref<128xi32, #tpu.memory_space<hbm>>
          %dma_start3A_271 = tpu.memref_slice %arg3[%add3A_175] : memref<327680xi32, #tpu.memory_space<hbm>> -> memref<128xi32, #tpu.memory_space<hbm>>
          tpu.enqueue_dma source(%dma_start3A_271 : memref<128xi32, #tpu.memory_space<hbm>>) target(%arg12 : memref<128xi32, #tpu.memory_space<vmem>>) target_semaphore(%run_scoped3A : memref<!tpu.dma_semaphore, #tpu.memory_space<semaphore_mem>>)
          %dma_wait3A_272 = tpu.memref_slice %arg3[%add3A_175] : memref<327680xi32, #tpu.memory_space<hbm>> -> memref<128xi32, #tpu.memory_space<hbm>>
          %dma_wait3A_273 = tpu.memref_slice %arg3[%add3A_175] : memref<327680xi32, #tpu.memory_space<hbm>> -> memref<128xi32, #tpu.memory_space<hbm>>
          tpu.wait_dma2 semaphore(%run_scoped3A : memref<!tpu.dma_semaphore, #tpu.memory_space<semaphore_mem>>) src(%dma_wait3A_273 : memref<128xi32, #tpu.memory_space<hbm>>) dst(%arg12 : memref<128xi32, #tpu.memory_space<vmem>>)
          tpu.yield
        }) : () -> ()
        "tpu.region"() ({
          %run_scoped3A = tpu.sem_alloc : memref<!tpu.dma_semaphore, #tpu.memory_space<semaphore_mem>>
          %dma_start3A_270 = tpu.memref_slice %arg4[%add3A_175] : memref<327680xi32, #tpu.memory_space<hbm>> -> memref<128xi32, #tpu.memory_space<hbm>>
          %dma_start3A_271 = tpu.memref_slice %arg4[%add3A_175] : memref<327680xi32, #tpu.memory_space<hbm>> -> memref<128xi32, #tpu.memory_space<hbm>>
          tpu.enqueue_dma source(%dma_start3A_271 : memref<128xi32, #tpu.memory_space<hbm>>) target(%arg13 : memref<128xi32, #tpu.memory_space<vmem>>) target_semaphore(%run_scoped3A : memref<!tpu.dma_semaphore, #tpu.memory_space<semaphore_mem>>)
          %dma_wait3A_272 = tpu.memref_slice %arg4[%add3A_175] : memref<327680xi32, #tpu.memory_space<hbm>> -> memref<128xi32, #tpu.memory_space<hbm>>
          %dma_wait3A_273 = tpu.memref_slice %arg4[%add3A_175] : memref<327680xi32, #tpu.memory_space<hbm>> -> memref<128xi32, #tpu.memory_space<hbm>>
          tpu.wait_dma2 semaphore(%run_scoped3A : memref<!tpu.dma_semaphore, #tpu.memory_space<semaphore_mem>>) src(%dma_wait3A_273 : memref<128xi32, #tpu.memory_space<hbm>>) dst(%arg13 : memref<128xi32, #tpu.memory_space<vmem>>)
          tpu.yield
        }) : () -> ()
        "tpu.region"() ({
          %run_scoped3A = tpu.sem_alloc : memref<!tpu.dma_semaphore, #tpu.memory_space<semaphore_mem>>
          %dma_start3A_270 = tpu.memref_slice %arg5[%add3A_175] : memref<327680xi32, #tpu.memory_space<hbm>> -> memref<128xi32, #tpu.memory_space<hbm>>
          %dma_start3A_271 = tpu.memref_slice %arg5[%add3A_175] : memref<327680xi32, #tpu.memory_space<hbm>> -> memref<128xi32, #tpu.memory_space<hbm>>
          tpu.enqueue_dma source(%dma_start3A_271 : memref<128xi32, #tpu.memory_space<hbm>>) target(%arg14 : memref<128xi32, #tpu.memory_space<vmem>>) target_semaphore(%run_scoped3A : memref<!tpu.dma_semaphore, #tpu.memory_space<semaphore_mem>>)
          %dma_wait3A_272 = tpu.memref_slice %arg5[%add3A_175] : memref<327680xi32, #tpu.memory_space<hbm>> -> memref<128xi32, #tpu.memory_space<hbm>>
          %dma_wait3A_273 = tpu.memref_slice %arg5[%add3A_175] : memref<327680xi32, #tpu.memory_space<hbm>> -> memref<128xi32, #tpu.memory_space<hbm>>
          tpu.wait_dma2 semaphore(%run_scoped3A : memref<!tpu.dma_semaphore, #tpu.memory_space<semaphore_mem>>) src(%dma_wait3A_273 : memref<128xi32, #tpu.memory_space<hbm>>) dst(%arg14 : memref<128xi32, #tpu.memory_space<vmem>>)
          tpu.yield
        }) : () -> ()
        %get3A_176 = arith.constant 0 : index
        %get3A_177 = tpu.vector_load %arg12[%get3A_176] {strides = array<i32>} : memref<128xi32, #tpu.memory_space<vmem>>, vector<16xi32>,
        %get3A_178 = arith.constant 0 : index
        %get3A_179 = tpu.vector_load %arg13[%get3A_178] {strides = array<i32>} : memref<128xi32, #tpu.memory_space<vmem>>, vector<16xi32>,
        %mul3A_180 = arith.constant 10000 : i32
        %mul3A_181 = vector.broadcast %mul3A_180 : i32 to vector<16xi32>
        %mul3A_182 = arith.muli %get3A_179, %mul3A_181 : vector<16xi32>
        %add3A_183 = arith.addi %mul3A_182, %get3A_177 : vector<16xi32>
        %swap3A = arith.constant 0 : index
        %swap3A_184 = tpu.vector_load %arg15[%swap3A] {strides = array<i32>} : memref<128xi32, #tpu.memory_space<vmem>>, vector<16xi32>,
        tpu.vector_store %arg15[%swap3A], %add3A_183 {strides = array<i32>} : memref<128xi32, #tpu.memory_space<vmem>>, vector<16xi32>,
        %get3A_185 = arith.constant 16 : index
        %get3A_186 = tpu.vector_load %arg12[%get3A_185] {strides = array<i32>} : memref<128xi32, #tpu.memory_space<vmem>>, vector<16xi32>,
        %get3A_187 = arith.constant 16 : index
        %get3A_188 = tpu.vector_load %arg13[%get3A_187] {strides = array<i32>} : memref<128xi32, #tpu.memory_space<vmem>>, vector<16xi32>,
        %mul3A_189 = arith.constant 10000 : i32
        %mul3A_190 = vector.broadcast %mul3A_189 : i32 to vector<16xi32>
        %mul3A_191 = arith.muli %get3A_188, %mul3A_190 : vector<16xi32>
        %add3A_192 = arith.addi %mul3A_191, %get3A_186 : vector<16xi32>
        %swap3A_193 = arith.constant 16 : index
        %swap3A_194 = tpu.vector_load %arg15[%swap3A_193] {strides = array<i32>} : memref<128xi32, #tpu.memory_space<vmem>>, vector<16xi32>,
        tpu.vector_store %arg15[%swap3A_193], %add3A_192 {strides = array<i32>} : memref<128xi32, #tpu.memory_space<vmem>>, vector<16xi32>,
        %get3A_195 = arith.constant 32 : index
        %get3A_196 = tpu.vector_load %arg12[%get3A_195] {strides = array<i32>} : memref<128xi32, #tpu.memory_space<vmem>>, vector<16xi32>,
        %get3A_197 = arith.constant 32 : index
        %get3A_198 = tpu.vector_load %arg13[%get3A_197] {strides = array<i32>} : memref<128xi32, #tpu.memory_space<vmem>>, vector<16xi32>,
        %mul3A_199 = arith.constant 10000 : i32
        %mul3A_200 = vector.broadcast %mul3A_199 : i32 to vector<16xi32>
        %mul3A_201 = arith.muli %get3A_198, %mul3A_200 : vector<16xi32>
        %add3A_202 = arith.addi %mul3A_201, %get3A_196 : vector<16xi32>
        %swap3A_203 = arith.constant 32 : index
        %swap3A_204 = tpu.vector_load %arg15[%swap3A_203] {strides = array<i32>} : memref<128xi32, #tpu.memory_space<vmem>>, vector<16xi32>,
        tpu.vector_store %arg15[%swap3A_203], %add3A_202 {strides = array<i32>} : memref<128xi32, #tpu.memory_space<vmem>>, vector<16xi32>,
        %get3A_205 = arith.constant 48 : index
        %get3A_206 = tpu.vector_load %arg12[%get3A_205] {strides = array<i32>} : memref<128xi32, #tpu.memory_space<vmem>>, vector<16xi32>,
        %get3A_207 = arith.constant 48 : index
        %get3A_208 = tpu.vector_load %arg13[%get3A_207] {strides = array<i32>} : memref<128xi32, #tpu.memory_space<vmem>>, vector<16xi32>,
        %mul3A_209 = arith.constant 10000 : i32
        %mul3A_210 = vector.broadcast %mul3A_209 : i32 to vector<16xi32>
        %mul3A_211 = arith.muli %get3A_208, %mul3A_210 : vector<16xi32>
        %add3A_212 = arith.addi %mul3A_211, %get3A_206 : vector<16xi32>
        %swap3A_213 = arith.constant 48 : index
        %swap3A_214 = tpu.vector_load %arg15[%swap3A_213] {strides = array<i32>} : memref<128xi32, #tpu.memory_space<vmem>>, vector<16xi32>,
        tpu.vector_store %arg15[%swap3A_213], %add3A_212 {strides = array<i32>} : memref<128xi32, #tpu.memory_space<vmem>>, vector<16xi32>,
        %get3A_215 = arith.constant 64 : index
        %get3A_216 = tpu.vector_load %arg12[%get3A_215] {strides = array<i32>} : memref<128xi32, #tpu.memory_space<vmem>>, vector<16xi32>,
        %get3A_217 = arith.constant 64 : index
        %get3A_218 = tpu.vector_load %arg13[%get3A_217] {strides = array<i32>} : memref<128xi32, #tpu.memory_space<vmem>>, vector<16xi32>,
        %mul3A_219 = arith.constant 10000 : i32
        %mul3A_220 = vector.broadcast %mul3A_219 : i32 to vector<16xi32>
        %mul3A_221 = arith.muli %get3A_218, %mul3A_220 : vector<16xi32>
        %add3A_222 = arith.addi %mul3A_221, %get3A_216 : vector<16xi32>
        %swap3A_223 = arith.constant 64 : index
        %swap3A_224 = tpu.vector_load %arg15[%swap3A_223] {strides = array<i32>} : memref<128xi32, #tpu.memory_space<vmem>>, vector<16xi32>,
        tpu.vector_store %arg15[%swap3A_223], %add3A_222 {strides = array<i32>} : memref<128xi32, #tpu.memory_space<vmem>>, vector<16xi32>,
        %get3A_225 = arith.constant 80 : index
        %get3A_226 = tpu.vector_load %arg12[%get3A_225] {strides = array<i32>} : memref<128xi32, #tpu.memory_space<vmem>>, vector<16xi32>,
        %get3A_227 = arith.constant 80 : index
        %get3A_228 = tpu.vector_load %arg13[%get3A_227] {strides = array<i32>} : memref<128xi32, #tpu.memory_space<vmem>>, vector<16xi32>,
        %mul3A_229 = arith.constant 10000 : i32
        %mul3A_230 = vector.broadcast %mul3A_229 : i32 to vector<16xi32>
        %mul3A_231 = arith.muli %get3A_228, %mul3A_230 : vector<16xi32>
        %add3A_232 = arith.addi %mul3A_231, %get3A_226 : vector<16xi32>
        %swap3A_233 = arith.constant 80 : index
        %swap3A_234 = tpu.vector_load %arg15[%swap3A_233] {strides = array<i32>} : memref<128xi32, #tpu.memory_space<vmem>>, vector<16xi32>,
        tpu.vector_store %arg15[%swap3A_233], %add3A_232 {strides = array<i32>} : memref<128xi32, #tpu.memory_space<vmem>>, vector<16xi32>,
        %get3A_235 = arith.constant 96 : index
        %get3A_236 = tpu.vector_load %arg12[%get3A_235] {strides = array<i32>} : memref<128xi32, #tpu.memory_space<vmem>>, vector<16xi32>,
        %get3A_237 = arith.constant 96 : index
        %get3A_238 = tpu.vector_load %arg13[%get3A_237] {strides = array<i32>} : memref<128xi32, #tpu.memory_space<vmem>>, vector<16xi32>,
        %mul3A_239 = arith.constant 10000 : i32
        %mul3A_240 = vector.broadcast %mul3A_239 : i32 to vector<16xi32>
        %mul3A_241 = arith.muli %get3A_238, %mul3A_240 : vector<16xi32>
        %add3A_242 = arith.addi %mul3A_241, %get3A_236 : vector<16xi32>
        %swap3A_243 = arith.constant 96 : index
        %swap3A_244 = tpu.vector_load %arg15[%swap3A_243] {strides = array<i32>} : memref<128xi32, #tpu.memory_space<vmem>>, vector<16xi32>,
        tpu.vector_store %arg15[%swap3A_243], %add3A_242 {strides = array<i32>} : memref<128xi32, #tpu.memory_space<vmem>>, vector<16xi32>,
        %get3A_245 = arith.constant 112 : index
        %get3A_246 = tpu.vector_load %arg12[%get3A_245] {strides = array<i32>} : memref<128xi32, #tpu.memory_space<vmem>>, vector<16xi32>,
        %get3A_247 = arith.constant 112 : index
        %get3A_248 = tpu.vector_load %arg13[%get3A_247] {strides = array<i32>} : memref<128xi32, #tpu.memory_space<vmem>>, vector<16xi32>,
        %mul3A_249 = arith.constant 10000 : i32
        %mul3A_250 = vector.broadcast %mul3A_249 : i32 to vector<16xi32>
        %mul3A_251 = arith.muli %get3A_248, %mul3A_250 : vector<16xi32>
        %add3A_252 = arith.addi %mul3A_251, %get3A_246 : vector<16xi32>
        %swap3A_253 = arith.constant 112 : index
        %swap3A_254 = tpu.vector_load %arg15[%swap3A_253] {strides = array<i32>} : memref<128xi32, #tpu.memory_space<vmem>>, vector<16xi32>,
        tpu.vector_store %arg15[%swap3A_253], %add3A_252 {strides = array<i32>} : memref<128xi32, #tpu.memory_space<vmem>>, vector<16xi32>,
        %dma_start3A = arith.constant 0 : i32
        %dma_start3A_255 = arith.constant 0 : i32
        %dma_start3A_256 = tpu.memref_slice %arg17[%dma_start3A, %dma_start3A_255] : memref<128x128xf32, #tpu.memory_space<vmem>> -> memref<64x128xf32, #tpu.memory_space<vmem>>
        %dma_start3A_257 = arith.constant 0 : i32
        %dma_start3A_258 = tpu.memref_slice %arg15[%dma_start3A_257] : memref<128xi32, #tpu.memory_space<vmem>> -> memref<64xi32, #tpu.memory_space<vmem>>
        %dma_start3A_259 = arith.constant 0 : i32
        %dma_start3A_260 = arith.constant 0 : i32
        %dma_start3A_261 = tpu.memref_slice %arg2[%dma_start3A_259, %dma_start3A_260] : memref<160000x128xf32, #tpu.memory_space<hbm>> -> memref<160000x128xf32, #tpu.memory_space<hbm>>
        tpu.enqueue_indirect_dma source(%dma_start3A_261 : memref<160000x128xf32, #tpu.memory_space<hbm>>) target(%dma_start3A_256 : memref<64x128xf32, #tpu.memory_space<vmem>>) offsets(%dma_start3A_258 : memref<64xi32, #tpu.memory_space<vmem>>) semaphore(%arg21 : memref<!tpu.dma_semaphore, #tpu.memory_space<semaphore_mem>>)
        %dma_start3A_262 = arith.constant 64 : i32
        %dma_start3A_263 = arith.constant 0 : i32
        %dma_start3A_264 = tpu.memref_slice %arg17[%dma_start3A_262, %dma_start3A_263] : memref<128x128xf32, #tpu.memory_space<vmem>> -> memref<64x128xf32, #tpu.memory_space<vmem>>
        %dma_start3A_265 = arith.constant 64 : i32
        %dma_start3A_266 = tpu.memref_slice %arg15[%dma_start3A_265] : memref<128xi32, #tpu.memory_space<vmem>> -> memref<64xi32, #tpu.memory_space<vmem>>
        %dma_start3A_267 = arith.constant 0 : i32
        %dma_start3A_268 = arith.constant 0 : i32
        %dma_start3A_269 = tpu.memref_slice %arg2[%dma_start3A_267, %dma_start3A_268] : memref<160000x128xf32, #tpu.memory_space<hbm>> -> memref<160000x128xf32, #tpu.memory_space<hbm>>
        tpu.enqueue_indirect_dma source(%dma_start3A_269 : memref<160000x128xf32, #tpu.memory_space<hbm>>) target(%dma_start3A_264 : memref<64x128xf32, #tpu.memory_space<vmem>>) offsets(%dma_start3A_266 : memref<64xi32, #tpu.memory_space<vmem>>) semaphore(%arg21 : memref<!tpu.dma_semaphore, #tpu.memory_space<semaphore_mem>>)
      } else {
      }
      %dma_wait3A = arith.constant 0 : i32
      %dma_wait3A_97 = arith.constant 0 : i32
      %dma_wait3A_98 = tpu.memref_slice %arg16[%dma_wait3A, %dma_wait3A_97] : memref<128x128xf32, #tpu.memory_space<vmem>> -> memref<64x128xf32, #tpu.memory_space<vmem>>
      %dma_wait3A_99 = arith.constant 0 : i32
      %dma_wait3A_100 = tpu.memref_slice %arg11[%dma_wait3A_99] : memref<128xi32, #tpu.memory_space<vmem>> -> memref<64xi32, #tpu.memory_space<vmem>>
      %dma_wait3A_101 = arith.constant 0 : i32
      %dma_wait3A_102 = arith.constant 0 : i32
      %dma_wait3A_103 = tpu.memref_slice %arg2[%dma_wait3A_101, %dma_wait3A_102] : memref<160000x128xf32, #tpu.memory_space<hbm>> -> memref<160000x128xf32, #tpu.memory_space<hbm>>
      tpu.wait_indirect_dma semaphore(%arg20 : memref<!tpu.dma_semaphore, #tpu.memory_space<semaphore_mem>>) src(%dma_wait3A_103 : memref<160000x128xf32, #tpu.memory_space<hbm>>) dst(%dma_wait3A_98 : memref<64x128xf32, #tpu.memory_space<vmem>>)
      %dma_wait3A_104 = arith.constant 64 : i32
      %dma_wait3A_105 = arith.constant 0 : i32
      %dma_wait3A_106 = tpu.memref_slice %arg16[%dma_wait3A_104, %dma_wait3A_105] : memref<128x128xf32, #tpu.memory_space<vmem>> -> memref<64x128xf32, #tpu.memory_space<vmem>>
      %dma_wait3A_107 = arith.constant 64 : i32
      %dma_wait3A_108 = tpu.memref_slice %arg11[%dma_wait3A_107] : memref<128xi32, #tpu.memory_space<vmem>> -> memref<64xi32, #tpu.memory_space<vmem>>
      %dma_wait3A_109 = arith.constant 0 : i32
      %dma_wait3A_110 = arith.constant 0 : i32
      %dma_wait3A_111 = tpu.memref_slice %arg2[%dma_wait3A_109, %dma_wait3A_110] : memref<160000x128xf32, #tpu.memory_space<hbm>> -> memref<160000x128xf32, #tpu.memory_space<hbm>>
      tpu.wait_indirect_dma semaphore(%arg20 : memref<!tpu.dma_semaphore, #tpu.memory_space<semaphore_mem>>) src(%dma_wait3A_111 : memref<160000x128xf32, #tpu.memory_space<hbm>>) dst(%dma_wait3A_106 : memref<64x128xf32, #tpu.memory_space<vmem>>)
      "tpu.region"() ({
        %run_scoped3A = tpu.sem_alloc : memref<!tpu.dma_semaphore, #tpu.memory_space<semaphore_mem>>
        %dma_start3A = arith.constant 0 : i32
        %dma_start3A_171 = arith.constant 0 : i32
        %dma_start3A_172 = tpu.memref_slice %arg19[%dma_start3A, %dma_start3A_171] : memref<10112x128xf32, #tpu.memory_space<vmem_shared>> -> memref<10112x128xf32, #tpu.memory_space<vmem_shared>>
        tpu.enqueue_indirect_dma source(%arg16 : memref<128x128xf32, #tpu.memory_space<vmem>>) target(%dma_start3A_172 : memref<10112x128xf32, #tpu.memory_space<vmem_shared>>) offsets(%arg10 : memref<128xi32, #tpu.memory_space<vmem>>) semaphore(%run_scoped3A : memref<!tpu.dma_semaphore, #tpu.memory_space<semaphore_mem>>) {add = true}
        %dma_wait3A_173 = arith.constant 0 : i32
        %dma_wait3A_174 = arith.constant 0 : i32
        %dma_wait3A_175 = tpu.memref_slice %arg19[%dma_wait3A_173, %dma_wait3A_174] : memref<10112x128xf32, #tpu.memory_space<vmem_shared>> -> memref<10112x128xf32, #tpu.memory_space<vmem_shared>>
        tpu.wait_indirect_dma semaphore(%run_scoped3A : memref<!tpu.dma_semaphore, #tpu.memory_space<semaphore_mem>>) src(%arg16 : memref<128x128xf32, #tpu.memory_space<vmem>>) dst(%dma_wait3A_175 : memref<10112x128xf32, #tpu.memory_space<vmem_shared>>)
        tpu.yield
      }) : () -> ()
      %get3A = arith.constant 0 : index
      %get3A_112 = tpu.vector_load %arg10[%get3A] {strides = array<i32>} : memref<128xi32, #tpu.memory_space<vmem>>, vector<16xi32>,
      tpu.vector_store_idx %arg18[%get3A_112], %broadcast_in_dim3A_3 {add = true} : memref<10112xf32, #tpu.memory_space<vmem>>[vector<16xi32>], vector<16xf32>,
      %get3A_113 = arith.constant 16 : index
      %get3A_114 = tpu.vector_load %arg10[%get3A_113] {strides = array<i32>} : memref<128xi32, #tpu.memory_space<vmem>>, vector<16xi32>,
      tpu.vector_store_idx %arg18[%get3A_114], %broadcast_in_dim3A_3 {add = true} : memref<10112xf32, #tpu.memory_space<vmem>>[vector<16xi32>], vector<16xf32>,
      %get3A_115 = arith.constant 32 : index
      %get3A_116 = tpu.vector_load %arg10[%get3A_115] {strides = array<i32>} : memref<128xi32, #tpu.memory_space<vmem>>, vector<16xi32>,
      tpu.vector_store_idx %arg18[%get3A_116], %broadcast_in_dim3A_3 {add = true} : memref<10112xf32, #tpu.memory_space<vmem>>[vector<16xi32>], vector<16xf32>,
      %get3A_117 = arith.constant 48 : index
      %get3A_118 = tpu.vector_load %arg10[%get3A_117] {strides = array<i32>} : memref<128xi32, #tpu.memory_space<vmem>>, vector<16xi32>,
      tpu.vector_store_idx %arg18[%get3A_118], %broadcast_in_dim3A_3 {add = true} : memref<10112xf32, #tpu.memory_space<vmem>>[vector<16xi32>], vector<16xf32>,
      %get3A_119 = arith.constant 64 : index
      %get3A_120 = tpu.vector_load %arg10[%get3A_119] {strides = array<i32>} : memref<128xi32, #tpu.memory_space<vmem>>, vector<16xi32>,
      tpu.vector_store_idx %arg18[%get3A_120], %broadcast_in_dim3A_3 {add = true} : memref<10112xf32, #tpu.memory_space<vmem>>[vector<16xi32>], vector<16xf32>,
      %get3A_121 = arith.constant 80 : index
      %get3A_122 = tpu.vector_load %arg10[%get3A_121] {strides = array<i32>} : memref<128xi32, #tpu.memory_space<vmem>>, vector<16xi32>,
      tpu.vector_store_idx %arg18[%get3A_122], %broadcast_in_dim3A_3 {add = true} : memref<10112xf32, #tpu.memory_space<vmem>>[vector<16xi32>], vector<16xf32>,
      %get3A_123 = arith.constant 96 : index
      %get3A_124 = tpu.vector_load %arg10[%get3A_123] {strides = array<i32>} : memref<128xi32, #tpu.memory_space<vmem>>, vector<16xi32>,
      tpu.vector_store_idx %arg18[%get3A_124], %broadcast_in_dim3A_3 {add = true} : memref<10112xf32, #tpu.memory_space<vmem>>[vector<16xi32>], vector<16xf32>,
      %get3A_125 = arith.constant 112 : index
      %get3A_126 = tpu.vector_load %arg10[%get3A_125] {strides = array<i32>} : memref<128xi32, #tpu.memory_space<vmem>>, vector<16xi32>,
      tpu.vector_store_idx %arg18[%get3A_126], %broadcast_in_dim3A_3 {add = true} : memref<10112xf32, #tpu.memory_space<vmem>>[vector<16xi32>], vector<16xf32>,
      %mul3A_127 = arith.constant 2 : i32
      %mul3A_128 = arith.muli %mul3A_127, %while3A_85 : i32
      %add3A_129 = arith.constant 1 : i32
      %add3A_130 = arith.addi %mul3A_128, %add3A_129 : i32
      %add3A_131 = arith.constant 1 : i32
      %add3A_132 = arith.addi %add3A_130, %add3A_131 : i32
      %sub3A_133 = arith.constant 1 : i32
      %sub3A_134 = arith.subi %select_n3A, %sub3A_133 : i32
      %le3A_135 = arith.cmpi sle, %add3A_132, %sub3A_134 : i32
      %convert_element_type3A_136 = arith.extui %le3A_135 : i1 to i32
      %cond3A_137 = arith.constant 0 : i32
      %cond3A_138 = arith.cmpi ne, %convert_element_type3A_136, %cond3A_137 : i32
      scf.if %cond3A_138 {
        %add3A_171 = arith.constant 1 : i32
        %add3A_172 = arith.addi %add3A_130, %add3A_171 : i32
        %mul3A_173 = arith.constant 128 : i32
        %mul3A_174 = arith.muli %add3A_172, %mul3A_173 : i32
        %add3A_175 = arith.addi %select_n3A_45, %mul3A_174 : i32
        "tpu.region"() ({
          %run_scoped3A = tpu.sem_alloc : memref<!tpu.dma_semaphore, #tpu.memory_space<semaphore_mem>>
          %dma_start3A_270 = tpu.memref_slice %arg3[%add3A_175] : memref<327680xi32, #tpu.memory_space<hbm>> -> memref<128xi32, #tpu.memory_space<hbm>>
          %dma_start3A_271 = tpu.memref_slice %arg3[%add3A_175] : memref<327680xi32, #tpu.memory_space<hbm>> -> memref<128xi32, #tpu.memory_space<hbm>>
          tpu.enqueue_dma source(%dma_start3A_271 : memref<128xi32, #tpu.memory_space<hbm>>) target(%arg8 : memref<128xi32, #tpu.memory_space<vmem>>) target_semaphore(%run_scoped3A : memref<!tpu.dma_semaphore, #tpu.memory_space<semaphore_mem>>)
          %dma_wait3A_272 = tpu.memref_slice %arg3[%add3A_175] : memref<327680xi32, #tpu.memory_space<hbm>> -> memref<128xi32, #tpu.memory_space<hbm>>
          %dma_wait3A_273 = tpu.memref_slice %arg3[%add3A_175] : memref<327680xi32, #tpu.memory_space<hbm>> -> memref<128xi32, #tpu.memory_space<hbm>>
          tpu.wait_dma2 semaphore(%run_scoped3A : memref<!tpu.dma_semaphore, #tpu.memory_space<semaphore_mem>>) src(%dma_wait3A_273 : memref<128xi32, #tpu.memory_space<hbm>>) dst(%arg8 : memref<128xi32, #tpu.memory_space<vmem>>)
          tpu.yield
        }) : () -> ()
        "tpu.region"() ({
          %run_scoped3A = tpu.sem_alloc : memref<!tpu.dma_semaphore, #tpu.memory_space<semaphore_mem>>
          %dma_start3A_270 = tpu.memref_slice %arg4[%add3A_175] : memref<327680xi32, #tpu.memory_space<hbm>> -> memref<128xi32, #tpu.memory_space<hbm>>
          %dma_start3A_271 = tpu.memref_slice %arg4[%add3A_175] : memref<327680xi32, #tpu.memory_space<hbm>> -> memref<128xi32, #tpu.memory_space<hbm>>
          tpu.enqueue_dma source(%dma_start3A_271 : memref<128xi32, #tpu.memory_space<hbm>>) target(%arg9 : memref<128xi32, #tpu.memory_space<vmem>>) target_semaphore(%run_scoped3A : memref<!tpu.dma_semaphore, #tpu.memory_space<semaphore_mem>>)
          %dma_wait3A_272 = tpu.memref_slice %arg4[%add3A_175] : memref<327680xi32, #tpu.memory_space<hbm>> -> memref<128xi32, #tpu.memory_space<hbm>>
          %dma_wait3A_273 = tpu.memref_slice %arg4[%add3A_175] : memref<327680xi32, #tpu.memory_space<hbm>> -> memref<128xi32, #tpu.memory_space<hbm>>
          tpu.wait_dma2 semaphore(%run_scoped3A : memref<!tpu.dma_semaphore, #tpu.memory_space<semaphore_mem>>) src(%dma_wait3A_273 : memref<128xi32, #tpu.memory_space<hbm>>) dst(%arg9 : memref<128xi32, #tpu.memory_space<vmem>>)
          tpu.yield
        }) : () -> ()
        "tpu.region"() ({
          %run_scoped3A = tpu.sem_alloc : memref<!tpu.dma_semaphore, #tpu.memory_space<semaphore_mem>>
          %dma_start3A_270 = tpu.memref_slice %arg5[%add3A_175] : memref<327680xi32, #tpu.memory_space<hbm>> -> memref<128xi32, #tpu.memory_space<hbm>>
          %dma_start3A_271 = tpu.memref_slice %arg5[%add3A_175] : memref<327680xi32, #tpu.memory_space<hbm>> -> memref<128xi32, #tpu.memory_space<hbm>>
          tpu.enqueue_dma source(%dma_start3A_271 : memref<128xi32, #tpu.memory_space<hbm>>) target(%arg10 : memref<128xi32, #tpu.memory_space<vmem>>) target_semaphore(%run_scoped3A : memref<!tpu.dma_semaphore, #tpu.memory_space<semaphore_mem>>)
          %dma_wait3A_272 = tpu.memref_slice %arg5[%add3A_175] : memref<327680xi32, #tpu.memory_space<hbm>> -> memref<128xi32, #tpu.memory_space<hbm>>
          %dma_wait3A_273 = tpu.memref_slice %arg5[%add3A_175] : memref<327680xi32, #tpu.memory_space<hbm>> -> memref<128xi32, #tpu.memory_space<hbm>>
          tpu.wait_dma2 semaphore(%run_scoped3A : memref<!tpu.dma_semaphore, #tpu.memory_space<semaphore_mem>>) src(%dma_wait3A_273 : memref<128xi32, #tpu.memory_space<hbm>>) dst(%arg10 : memref<128xi32, #tpu.memory_space<vmem>>)
          tpu.yield
        }) : () -> ()
        %get3A_176 = arith.constant 0 : index
        %get3A_177 = tpu.vector_load %arg8[%get3A_176] {strides = array<i32>} : memref<128xi32, #tpu.memory_space<vmem>>, vector<16xi32>,
        %get3A_178 = arith.constant 0 : index
        %get3A_179 = tpu.vector_load %arg9[%get3A_178] {strides = array<i32>} : memref<128xi32, #tpu.memory_space<vmem>>, vector<16xi32>,
        %mul3A_180 = arith.constant 10000 : i32
        %mul3A_181 = vector.broadcast %mul3A_180 : i32 to vector<16xi32>
        %mul3A_182 = arith.muli %get3A_179, %mul3A_181 : vector<16xi32>
        %add3A_183 = arith.addi %mul3A_182, %get3A_177 : vector<16xi32>
        %swap3A = arith.constant 0 : index
        %swap3A_184 = tpu.vector_load %arg11[%swap3A] {strides = array<i32>} : memref<128xi32, #tpu.memory_space<vmem>>, vector<16xi32>,
        tpu.vector_store %arg11[%swap3A], %add3A_183 {strides = array<i32>} : memref<128xi32, #tpu.memory_space<vmem>>, vector<16xi32>,
        %get3A_185 = arith.constant 16 : index
        %get3A_186 = tpu.vector_load %arg8[%get3A_185] {strides = array<i32>} : memref<128xi32, #tpu.memory_space<vmem>>, vector<16xi32>,
        %get3A_187 = arith.constant 16 : index
        %get3A_188 = tpu.vector_load %arg9[%get3A_187] {strides = array<i32>} : memref<128xi32, #tpu.memory_space<vmem>>, vector<16xi32>,
        %mul3A_189 = arith.constant 10000 : i32
        %mul3A_190 = vector.broadcast %mul3A_189 : i32 to vector<16xi32>
        %mul3A_191 = arith.muli %get3A_188, %mul3A_190 : vector<16xi32>
        %add3A_192 = arith.addi %mul3A_191, %get3A_186 : vector<16xi32>
        %swap3A_193 = arith.constant 16 : index
        %swap3A_194 = tpu.vector_load %arg11[%swap3A_193] {strides = array<i32>} : memref<128xi32, #tpu.memory_space<vmem>>, vector<16xi32>,
        tpu.vector_store %arg11[%swap3A_193], %add3A_192 {strides = array<i32>} : memref<128xi32, #tpu.memory_space<vmem>>, vector<16xi32>,
        %get3A_195 = arith.constant 32 : index
        %get3A_196 = tpu.vector_load %arg8[%get3A_195] {strides = array<i32>} : memref<128xi32, #tpu.memory_space<vmem>>, vector<16xi32>,
        %get3A_197 = arith.constant 32 : index
        %get3A_198 = tpu.vector_load %arg9[%get3A_197] {strides = array<i32>} : memref<128xi32, #tpu.memory_space<vmem>>, vector<16xi32>,
        %mul3A_199 = arith.constant 10000 : i32
        %mul3A_200 = vector.broadcast %mul3A_199 : i32 to vector<16xi32>
        %mul3A_201 = arith.muli %get3A_198, %mul3A_200 : vector<16xi32>
        %add3A_202 = arith.addi %mul3A_201, %get3A_196 : vector<16xi32>
        %swap3A_203 = arith.constant 32 : index
        %swap3A_204 = tpu.vector_load %arg11[%swap3A_203] {strides = array<i32>} : memref<128xi32, #tpu.memory_space<vmem>>, vector<16xi32>,
        tpu.vector_store %arg11[%swap3A_203], %add3A_202 {strides = array<i32>} : memref<128xi32, #tpu.memory_space<vmem>>, vector<16xi32>,
        %get3A_205 = arith.constant 48 : index
        %get3A_206 = tpu.vector_load %arg8[%get3A_205] {strides = array<i32>} : memref<128xi32, #tpu.memory_space<vmem>>, vector<16xi32>,
        %get3A_207 = arith.constant 48 : index
        %get3A_208 = tpu.vector_load %arg9[%get3A_207] {strides = array<i32>} : memref<128xi32, #tpu.memory_space<vmem>>, vector<16xi32>,
        %mul3A_209 = arith.constant 10000 : i32
        %mul3A_210 = vector.broadcast %mul3A_209 : i32 to vector<16xi32>
        %mul3A_211 = arith.muli %get3A_208, %mul3A_210 : vector<16xi32>
        %add3A_212 = arith.addi %mul3A_211, %get3A_206 : vector<16xi32>
        %swap3A_213 = arith.constant 48 : index
        %swap3A_214 = tpu.vector_load %arg11[%swap3A_213] {strides = array<i32>} : memref<128xi32, #tpu.memory_space<vmem>>, vector<16xi32>,
        tpu.vector_store %arg11[%swap3A_213], %add3A_212 {strides = array<i32>} : memref<128xi32, #tpu.memory_space<vmem>>, vector<16xi32>,
        %get3A_215 = arith.constant 64 : index
        %get3A_216 = tpu.vector_load %arg8[%get3A_215] {strides = array<i32>} : memref<128xi32, #tpu.memory_space<vmem>>, vector<16xi32>,
        %get3A_217 = arith.constant 64 : index
        %get3A_218 = tpu.vector_load %arg9[%get3A_217] {strides = array<i32>} : memref<128xi32, #tpu.memory_space<vmem>>, vector<16xi32>,
        %mul3A_219 = arith.constant 10000 : i32
        %mul3A_220 = vector.broadcast %mul3A_219 : i32 to vector<16xi32>
        %mul3A_221 = arith.muli %get3A_218, %mul3A_220 : vector<16xi32>
        %add3A_222 = arith.addi %mul3A_221, %get3A_216 : vector<16xi32>
        %swap3A_223 = arith.constant 64 : index
        %swap3A_224 = tpu.vector_load %arg11[%swap3A_223] {strides = array<i32>} : memref<128xi32, #tpu.memory_space<vmem>>, vector<16xi32>,
        tpu.vector_store %arg11[%swap3A_223], %add3A_222 {strides = array<i32>} : memref<128xi32, #tpu.memory_space<vmem>>, vector<16xi32>,
        %get3A_225 = arith.constant 80 : index
        %get3A_226 = tpu.vector_load %arg8[%get3A_225] {strides = array<i32>} : memref<128xi32, #tpu.memory_space<vmem>>, vector<16xi32>,
        %get3A_227 = arith.constant 80 : index
        %get3A_228 = tpu.vector_load %arg9[%get3A_227] {strides = array<i32>} : memref<128xi32, #tpu.memory_space<vmem>>, vector<16xi32>,
        %mul3A_229 = arith.constant 10000 : i32
        %mul3A_230 = vector.broadcast %mul3A_229 : i32 to vector<16xi32>
        %mul3A_231 = arith.muli %get3A_228, %mul3A_230 : vector<16xi32>
        %add3A_232 = arith.addi %mul3A_231, %get3A_226 : vector<16xi32>
        %swap3A_233 = arith.constant 80 : index
        %swap3A_234 = tpu.vector_load %arg11[%swap3A_233] {strides = array<i32>} : memref<128xi32, #tpu.memory_space<vmem>>, vector<16xi32>,
        tpu.vector_store %arg11[%swap3A_233], %add3A_232 {strides = array<i32>} : memref<128xi32, #tpu.memory_space<vmem>>, vector<16xi32>,
        %get3A_235 = arith.constant 96 : index
        %get3A_236 = tpu.vector_load %arg8[%get3A_235] {strides = array<i32>} : memref<128xi32, #tpu.memory_space<vmem>>, vector<16xi32>,
        %get3A_237 = arith.constant 96 : index
        %get3A_238 = tpu.vector_load %arg9[%get3A_237] {strides = array<i32>} : memref<128xi32, #tpu.memory_space<vmem>>, vector<16xi32>,
        %mul3A_239 = arith.constant 10000 : i32
        %mul3A_240 = vector.broadcast %mul3A_239 : i32 to vector<16xi32>
        %mul3A_241 = arith.muli %get3A_238, %mul3A_240 : vector<16xi32>
        %add3A_242 = arith.addi %mul3A_241, %get3A_236 : vector<16xi32>
        %swap3A_243 = arith.constant 96 : index
        %swap3A_244 = tpu.vector_load %arg11[%swap3A_243] {strides = array<i32>} : memref<128xi32, #tpu.memory_space<vmem>>, vector<16xi32>,
        tpu.vector_store %arg11[%swap3A_243], %add3A_242 {strides = array<i32>} : memref<128xi32, #tpu.memory_space<vmem>>, vector<16xi32>,
        %get3A_245 = arith.constant 112 : index
        %get3A_246 = tpu.vector_load %arg8[%get3A_245] {strides = array<i32>} : memref<128xi32, #tpu.memory_space<vmem>>, vector<16xi32>,
        %get3A_247 = arith.constant 112 : index
        %get3A_248 = tpu.vector_load %arg9[%get3A_247] {strides = array<i32>} : memref<128xi32, #tpu.memory_space<vmem>>, vector<16xi32>,
        %mul3A_249 = arith.constant 10000 : i32
        %mul3A_250 = vector.broadcast %mul3A_249 : i32 to vector<16xi32>
        %mul3A_251 = arith.muli %get3A_248, %mul3A_250 : vector<16xi32>
        %add3A_252 = arith.addi %mul3A_251, %get3A_246 : vector<16xi32>
        %swap3A_253 = arith.constant 112 : index
        %swap3A_254 = tpu.vector_load %arg11[%swap3A_253] {strides = array<i32>} : memref<128xi32, #tpu.memory_space<vmem>>, vector<16xi32>,
        tpu.vector_store %arg11[%swap3A_253], %add3A_252 {strides = array<i32>} : memref<128xi32, #tpu.memory_space<vmem>>, vector<16xi32>,
        %dma_start3A = arith.constant 0 : i32
        %dma_start3A_255 = arith.constant 0 : i32
        %dma_start3A_256 = tpu.memref_slice %arg16[%dma_start3A, %dma_start3A_255] : memref<128x128xf32, #tpu.memory_space<vmem>> -> memref<64x128xf32, #tpu.memory_space<vmem>>
        %dma_start3A_257 = arith.constant 0 : i32
        %dma_start3A_258 = tpu.memref_slice %arg11[%dma_start3A_257] : memref<128xi32, #tpu.memory_space<vmem>> -> memref<64xi32, #tpu.memory_space<vmem>>
        %dma_start3A_259 = arith.constant 0 : i32
        %dma_start3A_260 = arith.constant 0 : i32
        %dma_start3A_261 = tpu.memref_slice %arg2[%dma_start3A_259, %dma_start3A_260] : memref<160000x128xf32, #tpu.memory_space<hbm>> -> memref<160000x128xf32, #tpu.memory_space<hbm>>
        tpu.enqueue_indirect_dma source(%dma_start3A_261 : memref<160000x128xf32, #tpu.memory_space<hbm>>) target(%dma_start3A_256 : memref<64x128xf32, #tpu.memory_space<vmem>>) offsets(%dma_start3A_258 : memref<64xi32, #tpu.memory_space<vmem>>) semaphore(%arg20 : memref<!tpu.dma_semaphore, #tpu.memory_space<semaphore_mem>>)
        %dma_start3A_262 = arith.constant 64 : i32
        %dma_start3A_263 = arith.constant 0 : i32
        %dma_start3A_264 = tpu.memref_slice %arg16[%dma_start3A_262, %dma_start3A_263] : memref<128x128xf32, #tpu.memory_space<vmem>> -> memref<64x128xf32, #tpu.memory_space<vmem>>
        %dma_start3A_265 = arith.constant 64 : i32
        %dma_start3A_266 = tpu.memref_slice %arg11[%dma_start3A_265] : memref<128xi32, #tpu.memory_space<vmem>> -> memref<64xi32, #tpu.memory_space<vmem>>
        %dma_start3A_267 = arith.constant 0 : i32
        %dma_start3A_268 = arith.constant 0 : i32
        %dma_start3A_269 = tpu.memref_slice %arg2[%dma_start3A_267, %dma_start3A_268] : memref<160000x128xf32, #tpu.memory_space<hbm>> -> memref<160000x128xf32, #tpu.memory_space<hbm>>
        tpu.enqueue_indirect_dma source(%dma_start3A_269 : memref<160000x128xf32, #tpu.memory_space<hbm>>) target(%dma_start3A_264 : memref<64x128xf32, #tpu.memory_space<vmem>>) offsets(%dma_start3A_266 : memref<64xi32, #tpu.memory_space<vmem>>) semaphore(%arg20 : memref<!tpu.dma_semaphore, #tpu.memory_space<semaphore_mem>>)
      } else {
      }
      %dma_wait3A_139 = arith.constant 0 : i32
      %dma_wait3A_140 = arith.constant 0 : i32
      %dma_wait3A_141 = tpu.memref_slice %arg17[%dma_wait3A_139, %dma_wait3A_140] : memref<128x128xf32, #tpu.memory_space<vmem>> -> memref<64x128xf32, #tpu.memory_space<vmem>>
      %dma_wait3A_142 = arith.constant 0 : i32
      %dma_wait3A_143 = tpu.memref_slice %arg15[%dma_wait3A_142] : memref<128xi32, #tpu.memory_space<vmem>> -> memref<64xi32, #tpu.memory_space<vmem>>
      %dma_wait3A_144 = arith.constant 0 : i32
      %dma_wait3A_145 = arith.constant 0 : i32
      %dma_wait3A_146 = tpu.memref_slice %arg2[%dma_wait3A_144, %dma_wait3A_145] : memref<160000x128xf32, #tpu.memory_space<hbm>> -> memref<160000x128xf32, #tpu.memory_space<hbm>>
      tpu.wait_indirect_dma semaphore(%arg21 : memref<!tpu.dma_semaphore, #tpu.memory_space<semaphore_mem>>) src(%dma_wait3A_146 : memref<160000x128xf32, #tpu.memory_space<hbm>>) dst(%dma_wait3A_141 : memref<64x128xf32, #tpu.memory_space<vmem>>)
      %dma_wait3A_147 = arith.constant 64 : i32
      %dma_wait3A_148 = arith.constant 0 : i32
      %dma_wait3A_149 = tpu.memref_slice %arg17[%dma_wait3A_147, %dma_wait3A_148] : memref<128x128xf32, #tpu.memory_space<vmem>> -> memref<64x128xf32, #tpu.memory_space<vmem>>
      %dma_wait3A_150 = arith.constant 64 : i32
      %dma_wait3A_151 = tpu.memref_slice %arg15[%dma_wait3A_150] : memref<128xi32, #tpu.memory_space<vmem>> -> memref<64xi32, #tpu.memory_space<vmem>>
      %dma_wait3A_152 = arith.constant 0 : i32
      %dma_wait3A_153 = arith.constant 0 : i32
      %dma_wait3A_154 = tpu.memref_slice %arg2[%dma_wait3A_152, %dma_wait3A_153] : memref<160000x128xf32, #tpu.memory_space<hbm>> -> memref<160000x128xf32, #tpu.memory_space<hbm>>
      tpu.wait_indirect_dma semaphore(%arg21 : memref<!tpu.dma_semaphore, #tpu.memory_space<semaphore_mem>>) src(%dma_wait3A_154 : memref<160000x128xf32, #tpu.memory_space<hbm>>) dst(%dma_wait3A_149 : memref<64x128xf32, #tpu.memory_space<vmem>>)
      "tpu.region"() ({
        %run_scoped3A = tpu.sem_alloc : memref<!tpu.dma_semaphore, #tpu.memory_space<semaphore_mem>>
        %dma_start3A = arith.constant 0 : i32
        %dma_start3A_171 = arith.constant 0 : i32
        %dma_start3A_172 = tpu.memref_slice %arg19[%dma_start3A, %dma_start3A_171] : memref<10112x128xf32, #tpu.memory_space<vmem_shared>> -> memref<10112x128xf32, #tpu.memory_space<vmem_shared>>
        tpu.enqueue_indirect_dma source(%arg17 : memref<128x128xf32, #tpu.memory_space<vmem>>) target(%dma_start3A_172 : memref<10112x128xf32, #tpu.memory_space<vmem_shared>>) offsets(%arg14 : memref<128xi32, #tpu.memory_space<vmem>>) semaphore(%run_scoped3A : memref<!tpu.dma_semaphore, #tpu.memory_space<semaphore_mem>>) {add = true}
        %dma_wait3A_173 = arith.constant 0 : i32
        %dma_wait3A_174 = arith.constant 0 : i32
        %dma_wait3A_175 = tpu.memref_slice %arg19[%dma_wait3A_173, %dma_wait3A_174] : memref<10112x128xf32, #tpu.memory_space<vmem_shared>> -> memref<10112x128xf32, #tpu.memory_space<vmem_shared>>
        tpu.wait_indirect_dma semaphore(%run_scoped3A : memref<!tpu.dma_semaphore, #tpu.memory_space<semaphore_mem>>) src(%arg17 : memref<128x128xf32, #tpu.memory_space<vmem>>) dst(%dma_wait3A_175 : memref<10112x128xf32, #tpu.memory_space<vmem_shared>>)
        tpu.yield
      }) : () -> ()
      %get3A_155 = arith.constant 0 : index
      %get3A_156 = tpu.vector_load %arg14[%get3A_155] {strides = array<i32>} : memref<128xi32, #tpu.memory_space<vmem>>, vector<16xi32>,
      tpu.vector_store_idx %arg18[%get3A_156], %broadcast_in_dim3A_3 {add = true} : memref<10112xf32, #tpu.memory_space<vmem>>[vector<16xi32>], vector<16xf32>,
      %get3A_157 = arith.constant 16 : index
      %get3A_158 = tpu.vector_load %arg14[%get3A_157] {strides = array<i32>} : memref<128xi32, #tpu.memory_space<vmem>>, vector<16xi32>,
      tpu.vector_store_idx %arg18[%get3A_158], %broadcast_in_dim3A_3 {add = true} : memref<10112xf32, #tpu.memory_space<vmem>>[vector<16xi32>], vector<16xf32>,
      %get3A_159 = arith.constant 32 : index
      %get3A_160 = tpu.vector_load %arg14[%get3A_159] {strides = array<i32>} : memref<128xi32, #tpu.memory_space<vmem>>, vector<16xi32>,
      tpu.vector_store_idx %arg18[%get3A_160], %broadcast_in_dim3A_3 {add = true} : memref<10112xf32, #tpu.memory_space<vmem>>[vector<16xi32>], vector<16xf32>,
      %get3A_161 = arith.constant 48 : index
      %get3A_162 = tpu.vector_load %arg14[%get3A_161] {strides = array<i32>} : memref<128xi32, #tpu.memory_space<vmem>>, vector<16xi32>,
      tpu.vector_store_idx %arg18[%get3A_162], %broadcast_in_dim3A_3 {add = true} : memref<10112xf32, #tpu.memory_space<vmem>>[vector<16xi32>], vector<16xf32>,
      %get3A_163 = arith.constant 64 : index
      %get3A_164 = tpu.vector_load %arg14[%get3A_163] {strides = array<i32>} : memref<128xi32, #tpu.memory_space<vmem>>, vector<16xi32>,
      tpu.vector_store_idx %arg18[%get3A_164], %broadcast_in_dim3A_3 {add = true} : memref<10112xf32, #tpu.memory_space<vmem>>[vector<16xi32>], vector<16xf32>,
      %get3A_165 = arith.constant 80 : index
      %get3A_166 = tpu.vector_load %arg14[%get3A_165] {strides = array<i32>} : memref<128xi32, #tpu.memory_space<vmem>>, vector<16xi32>,
      tpu.vector_store_idx %arg18[%get3A_166], %broadcast_in_dim3A_3 {add = true} : memref<10112xf32, #tpu.memory_space<vmem>>[vector<16xi32>], vector<16xf32>,
      %get3A_167 = arith.constant 96 : index
      %get3A_168 = tpu.vector_load %arg14[%get3A_167] {strides = array<i32>} : memref<128xi32, #tpu.memory_space<vmem>>, vector<16xi32>,
      tpu.vector_store_idx %arg18[%get3A_168], %broadcast_in_dim3A_3 {add = true} : memref<10112xf32, #tpu.memory_space<vmem>>[vector<16xi32>], vector<16xf32>,
      %get3A_169 = arith.constant 112 : index
      %get3A_170 = tpu.vector_load %arg14[%get3A_169] {strides = array<i32>} : memref<128xi32, #tpu.memory_space<vmem>>, vector<16xi32>,
      tpu.vector_store_idx %arg18[%get3A_170], %broadcast_in_dim3A_3 {add = true} : memref<10112xf32, #tpu.memory_space<vmem>>[vector<16xi32>], vector<16xf32>,
    }
    %while3A_74 = arith.constant 1 : i32
    scf.for %while3A_85 = %while3A_72 to %while3A_68 step %while3A_74  : i32 {
      %mul3A_86 = arith.constant 2 : i32
      %mul3A_87 = arith.muli %mul3A_86, %while3A_85 : i32
      %add3A_88 = arith.constant 0 : i32
      %add3A_89 = arith.addi %mul3A_87, %add3A_88 : i32
      %add3A_90 = arith.constant 1 : i32
      %add3A_91 = arith.addi %add3A_89, %add3A_90 : i32
      %sub3A_92 = arith.constant 1 : i32
      %sub3A_93 = arith.subi %select_n3A, %sub3A_92 : i32
      %le3A = arith.cmpi sle, %add3A_91, %sub3A_93 : i32
      %convert_element_type3A_94 = arith.extui %le3A : i1 to i32
      %cond3A_95 = arith.constant 0 : i32
      %cond3A_96 = arith.cmpi ne, %convert_element_type3A_94, %cond3A_95 : i32
      scf.if %cond3A_96 {
        %add3A_171 = arith.constant 1 : i32
        %add3A_172 = arith.addi %add3A_89, %add3A_171 : i32
        %mul3A_173 = arith.constant 128 : i32
        %mul3A_174 = arith.muli %add3A_172, %mul3A_173 : i32
        %add3A_175 = arith.addi %select_n3A_45, %mul3A_174 : i32
        "tpu.region"() ({
          %run_scoped3A = tpu.sem_alloc : memref<!tpu.dma_semaphore, #tpu.memory_space<semaphore_mem>>
          %dma_start3A_270 = tpu.memref_slice %arg3[%add3A_175] : memref<327680xi32, #tpu.memory_space<hbm>> -> memref<128xi32, #tpu.memory_space<hbm>>
          %dma_start3A_271 = tpu.memref_slice %arg3[%add3A_175] : memref<327680xi32, #tpu.memory_space<hbm>> -> memref<128xi32, #tpu.memory_space<hbm>>
          tpu.enqueue_dma source(%dma_start3A_271 : memref<128xi32, #tpu.memory_space<hbm>>) target(%arg12 : memref<128xi32, #tpu.memory_space<vmem>>) target_semaphore(%run_scoped3A : memref<!tpu.dma_semaphore, #tpu.memory_space<semaphore_mem>>)
          %dma_wait3A_272 = tpu.memref_slice %arg3[%add3A_175] : memref<327680xi32, #tpu.memory_space<hbm>> -> memref<128xi32, #tpu.memory_space<hbm>>
          %dma_wait3A_273 = tpu.memref_slice %arg3[%add3A_175] : memref<327680xi32, #tpu.memory_space<hbm>> -> memref<128xi32, #tpu.memory_space<hbm>>
          tpu.wait_dma2 semaphore(%run_scoped3A : memref<!tpu.dma_semaphore, #tpu.memory_space<semaphore_mem>>) src(%dma_wait3A_273 : memref<128xi32, #tpu.memory_space<hbm>>) dst(%arg12 : memref<128xi32, #tpu.memory_space<vmem>>)
          tpu.yield
        }) : () -> ()
        "tpu.region"() ({
          %run_scoped3A = tpu.sem_alloc : memref<!tpu.dma_semaphore, #tpu.memory_space<semaphore_mem>>
          %dma_start3A_270 = tpu.memref_slice %arg4[%add3A_175] : memref<327680xi32, #tpu.memory_space<hbm>> -> memref<128xi32, #tpu.memory_space<hbm>>
          %dma_start3A_271 = tpu.memref_slice %arg4[%add3A_175] : memref<327680xi32, #tpu.memory_space<hbm>> -> memref<128xi32, #tpu.memory_space<hbm>>
          tpu.enqueue_dma source(%dma_start3A_271 : memref<128xi32, #tpu.memory_space<hbm>>) target(%arg13 : memref<128xi32, #tpu.memory_space<vmem>>) target_semaphore(%run_scoped3A : memref<!tpu.dma_semaphore, #tpu.memory_space<semaphore_mem>>)
          %dma_wait3A_272 = tpu.memref_slice %arg4[%add3A_175] : memref<327680xi32, #tpu.memory_space<hbm>> -> memref<128xi32, #tpu.memory_space<hbm>>
          %dma_wait3A_273 = tpu.memref_slice %arg4[%add3A_175] : memref<327680xi32, #tpu.memory_space<hbm>> -> memref<128xi32, #tpu.memory_space<hbm>>
          tpu.wait_dma2 semaphore(%run_scoped3A : memref<!tpu.dma_semaphore, #tpu.memory_space<semaphore_mem>>) src(%dma_wait3A_273 : memref<128xi32, #tpu.memory_space<hbm>>) dst(%arg13 : memref<128xi32, #tpu.memory_space<vmem>>)
          tpu.yield
        }) : () -> ()
        "tpu.region"() ({
          %run_scoped3A = tpu.sem_alloc : memref<!tpu.dma_semaphore, #tpu.memory_space<semaphore_mem>>
          %dma_start3A_270 = tpu.memref_slice %arg5[%add3A_175] : memref<327680xi32, #tpu.memory_space<hbm>> -> memref<128xi32, #tpu.memory_space<hbm>>
          %dma_start3A_271 = tpu.memref_slice %arg5[%add3A_175] : memref<327680xi32, #tpu.memory_space<hbm>> -> memref<128xi32, #tpu.memory_space<hbm>>
          tpu.enqueue_dma source(%dma_start3A_271 : memref<128xi32, #tpu.memory_space<hbm>>) target(%arg14 : memref<128xi32, #tpu.memory_space<vmem>>) target_semaphore(%run_scoped3A : memref<!tpu.dma_semaphore, #tpu.memory_space<semaphore_mem>>)
          %dma_wait3A_272 = tpu.memref_slice %arg5[%add3A_175] : memref<327680xi32, #tpu.memory_space<hbm>> -> memref<128xi32, #tpu.memory_space<hbm>>
          %dma_wait3A_273 = tpu.memref_slice %arg5[%add3A_175] : memref<327680xi32, #tpu.memory_space<hbm>> -> memref<128xi32, #tpu.memory_space<hbm>>
          tpu.wait_dma2 semaphore(%run_scoped3A : memref<!tpu.dma_semaphore, #tpu.memory_space<semaphore_mem>>) src(%dma_wait3A_273 : memref<128xi32, #tpu.memory_space<hbm>>) dst(%arg14 : memref<128xi32, #tpu.memory_space<vmem>>)
          tpu.yield
        }) : () -> ()
        %get3A_176 = arith.constant 0 : index
        %get3A_177 = tpu.vector_load %arg12[%get3A_176] {strides = array<i32>} : memref<128xi32, #tpu.memory_space<vmem>>, vector<16xi32>,
        %get3A_178 = arith.constant 0 : index
        %get3A_179 = tpu.vector_load %arg13[%get3A_178] {strides = array<i32>} : memref<128xi32, #tpu.memory_space<vmem>>, vector<16xi32>,
        %mul3A_180 = arith.constant 10000 : i32
        %mul3A_181 = vector.broadcast %mul3A_180 : i32 to vector<16xi32>
        %mul3A_182 = arith.muli %get3A_179, %mul3A_181 : vector<16xi32>
        %add3A_183 = arith.addi %mul3A_182, %get3A_177 : vector<16xi32>
        %swap3A = arith.constant 0 : index
        %swap3A_184 = tpu.vector_load %arg15[%swap3A] {strides = array<i32>} : memref<128xi32, #tpu.memory_space<vmem>>, vector<16xi32>,
        tpu.vector_store %arg15[%swap3A], %add3A_183 {strides = array<i32>} : memref<128xi32, #tpu.memory_space<vmem>>, vector<16xi32>,
        %get3A_185 = arith.constant 16 : index
        %get3A_186 = tpu.vector_load %arg12[%get3A_185] {strides = array<i32>} : memref<128xi32, #tpu.memory_space<vmem>>, vector<16xi32>,
        %get3A_187 = arith.constant 16 : index
        %get3A_188 = tpu.vector_load %arg13[%get3A_187] {strides = array<i32>} : memref<128xi32, #tpu.memory_space<vmem>>, vector<16xi32>,
        %mul3A_189 = arith.constant 10000 : i32
        %mul3A_190 = vector.broadcast %mul3A_189 : i32 to vector<16xi32>
        %mul3A_191 = arith.muli %get3A_188, %mul3A_190 : vector<16xi32>
        %add3A_192 = arith.addi %mul3A_191, %get3A_186 : vector<16xi32>
        %swap3A_193 = arith.constant 16 : index
        %swap3A_194 = tpu.vector_load %arg15[%swap3A_193] {strides = array<i32>} : memref<128xi32, #tpu.memory_space<vmem>>, vector<16xi32>,
        tpu.vector_store %arg15[%swap3A_193], %add3A_192 {strides = array<i32>} : memref<128xi32, #tpu.memory_space<vmem>>, vector<16xi32>,
        %get3A_195 = arith.constant 32 : index
        %get3A_196 = tpu.vector_load %arg12[%get3A_195] {strides = array<i32>} : memref<128xi32, #tpu.memory_space<vmem>>, vector<16xi32>,
        %get3A_197 = arith.constant 32 : index
        %get3A_198 = tpu.vector_load %arg13[%get3A_197] {strides = array<i32>} : memref<128xi32, #tpu.memory_space<vmem>>, vector<16xi32>,
        %mul3A_199 = arith.constant 10000 : i32
        %mul3A_200 = vector.broadcast %mul3A_199 : i32 to vector<16xi32>
        %mul3A_201 = arith.muli %get3A_198, %mul3A_200 : vector<16xi32>
        %add3A_202 = arith.addi %mul3A_201, %get3A_196 : vector<16xi32>
        %swap3A_203 = arith.constant 32 : index
        %swap3A_204 = tpu.vector_load %arg15[%swap3A_203] {strides = array<i32>} : memref<128xi32, #tpu.memory_space<vmem>>, vector<16xi32>,
        tpu.vector_store %arg15[%swap3A_203], %add3A_202 {strides = array<i32>} : memref<128xi32, #tpu.memory_space<vmem>>, vector<16xi32>,
        %get3A_205 = arith.constant 48 : index
        %get3A_206 = tpu.vector_load %arg12[%get3A_205] {strides = array<i32>} : memref<128xi32, #tpu.memory_space<vmem>>, vector<16xi32>,
        %get3A_207 = arith.constant 48 : index
        %get3A_208 = tpu.vector_load %arg13[%get3A_207] {strides = array<i32>} : memref<128xi32, #tpu.memory_space<vmem>>, vector<16xi32>,
        %mul3A_209 = arith.constant 10000 : i32
        %mul3A_210 = vector.broadcast %mul3A_209 : i32 to vector<16xi32>
        %mul3A_211 = arith.muli %get3A_208, %mul3A_210 : vector<16xi32>
        %add3A_212 = arith.addi %mul3A_211, %get3A_206 : vector<16xi32>
        %swap3A_213 = arith.constant 48 : index
        %swap3A_214 = tpu.vector_load %arg15[%swap3A_213] {strides = array<i32>} : memref<128xi32, #tpu.memory_space<vmem>>, vector<16xi32>,
        tpu.vector_store %arg15[%swap3A_213], %add3A_212 {strides = array<i32>} : memref<128xi32, #tpu.memory_space<vmem>>, vector<16xi32>,
        %get3A_215 = arith.constant 64 : index
        %get3A_216 = tpu.vector_load %arg12[%get3A_215] {strides = array<i32>} : memref<128xi32, #tpu.memory_space<vmem>>, vector<16xi32>,
        %get3A_217 = arith.constant 64 : index
        %get3A_218 = tpu.vector_load %arg13[%get3A_217] {strides = array<i32>} : memref<128xi32, #tpu.memory_space<vmem>>, vector<16xi32>,
        %mul3A_219 = arith.constant 10000 : i32
        %mul3A_220 = vector.broadcast %mul3A_219 : i32 to vector<16xi32>
        %mul3A_221 = arith.muli %get3A_218, %mul3A_220 : vector<16xi32>
        %add3A_222 = arith.addi %mul3A_221, %get3A_216 : vector<16xi32>
        %swap3A_223 = arith.constant 64 : index
        %swap3A_224 = tpu.vector_load %arg15[%swap3A_223] {strides = array<i32>} : memref<128xi32, #tpu.memory_space<vmem>>, vector<16xi32>,
        tpu.vector_store %arg15[%swap3A_223], %add3A_222 {strides = array<i32>} : memref<128xi32, #tpu.memory_space<vmem>>, vector<16xi32>,
        %get3A_225 = arith.constant 80 : index
        %get3A_226 = tpu.vector_load %arg12[%get3A_225] {strides = array<i32>} : memref<128xi32, #tpu.memory_space<vmem>>, vector<16xi32>,
        %get3A_227 = arith.constant 80 : index
        %get3A_228 = tpu.vector_load %arg13[%get3A_227] {strides = array<i32>} : memref<128xi32, #tpu.memory_space<vmem>>, vector<16xi32>,
        %mul3A_229 = arith.constant 10000 : i32
        %mul3A_230 = vector.broadcast %mul3A_229 : i32 to vector<16xi32>
        %mul3A_231 = arith.muli %get3A_228, %mul3A_230 : vector<16xi32>
        %add3A_232 = arith.addi %mul3A_231, %get3A_226 : vector<16xi32>
        %swap3A_233 = arith.constant 80 : index
        %swap3A_234 = tpu.vector_load %arg15[%swap3A_233] {strides = array<i32>} : memref<128xi32, #tpu.memory_space<vmem>>, vector<16xi32>,
        tpu.vector_store %arg15[%swap3A_233], %add3A_232 {strides = array<i32>} : memref<128xi32, #tpu.memory_space<vmem>>, vector<16xi32>,
        %get3A_235 = arith.constant 96 : index
        %get3A_236 = tpu.vector_load %arg12[%get3A_235] {strides = array<i32>} : memref<128xi32, #tpu.memory_space<vmem>>, vector<16xi32>,
        %get3A_237 = arith.constant 96 : index
        %get3A_238 = tpu.vector_load %arg13[%get3A_237] {strides = array<i32>} : memref<128xi32, #tpu.memory_space<vmem>>, vector<16xi32>,
        %mul3A_239 = arith.constant 10000 : i32
        %mul3A_240 = vector.broadcast %mul3A_239 : i32 to vector<16xi32>
        %mul3A_241 = arith.muli %get3A_238, %mul3A_240 : vector<16xi32>
        %add3A_242 = arith.addi %mul3A_241, %get3A_236 : vector<16xi32>
        %swap3A_243 = arith.constant 96 : index
        %swap3A_244 = tpu.vector_load %arg15[%swap3A_243] {strides = array<i32>} : memref<128xi32, #tpu.memory_space<vmem>>, vector<16xi32>,
        tpu.vector_store %arg15[%swap3A_243], %add3A_242 {strides = array<i32>} : memref<128xi32, #tpu.memory_space<vmem>>, vector<16xi32>,
        %get3A_245 = arith.constant 112 : index
        %get3A_246 = tpu.vector_load %arg12[%get3A_245] {strides = array<i32>} : memref<128xi32, #tpu.memory_space<vmem>>, vector<16xi32>,
        %get3A_247 = arith.constant 112 : index
        %get3A_248 = tpu.vector_load %arg13[%get3A_247] {strides = array<i32>} : memref<128xi32, #tpu.memory_space<vmem>>, vector<16xi32>,
        %mul3A_249 = arith.constant 10000 : i32
        %mul3A_250 = vector.broadcast %mul3A_249 : i32 to vector<16xi32>
        %mul3A_251 = arith.muli %get3A_248, %mul3A_250 : vector<16xi32>
        %add3A_252 = arith.addi %mul3A_251, %get3A_246 : vector<16xi32>
        %swap3A_253 = arith.constant 112 : index
        %swap3A_254 = tpu.vector_load %arg15[%swap3A_253] {strides = array<i32>} : memref<128xi32, #tpu.memory_space<vmem>>, vector<16xi32>,
        tpu.vector_store %arg15[%swap3A_253], %add3A_252 {strides = array<i32>} : memref<128xi32, #tpu.memory_space<vmem>>, vector<16xi32>,
        %dma_start3A = arith.constant 0 : i32
        %dma_start3A_255 = arith.constant 0 : i32
        %dma_start3A_256 = tpu.memref_slice %arg17[%dma_start3A, %dma_start3A_255] : memref<128x128xf32, #tpu.memory_space<vmem>> -> memref<64x128xf32, #tpu.memory_space<vmem>>
        %dma_start3A_257 = arith.constant 0 : i32
        %dma_start3A_258 = tpu.memref_slice %arg15[%dma_start3A_257] : memref<128xi32, #tpu.memory_space<vmem>> -> memref<64xi32, #tpu.memory_space<vmem>>
        %dma_start3A_259 = arith.constant 0 : i32
        %dma_start3A_260 = arith.constant 0 : i32
        %dma_start3A_261 = tpu.memref_slice %arg2[%dma_start3A_259, %dma_start3A_260] : memref<160000x128xf32, #tpu.memory_space<hbm>> -> memref<160000x128xf32, #tpu.memory_space<hbm>>
        tpu.enqueue_indirect_dma source(%dma_start3A_261 : memref<160000x128xf32, #tpu.memory_space<hbm>>) target(%dma_start3A_256 : memref<64x128xf32, #tpu.memory_space<vmem>>) offsets(%dma_start3A_258 : memref<64xi32, #tpu.memory_space<vmem>>) semaphore(%arg21 : memref<!tpu.dma_semaphore, #tpu.memory_space<semaphore_mem>>)
        %dma_start3A_262 = arith.constant 64 : i32
        %dma_start3A_263 = arith.constant 0 : i32
        %dma_start3A_264 = tpu.memref_slice %arg17[%dma_start3A_262, %dma_start3A_263] : memref<128x128xf32, #tpu.memory_space<vmem>> -> memref<64x128xf32, #tpu.memory_space<vmem>>
        %dma_start3A_265 = arith.constant 64 : i32
        %dma_start3A_266 = tpu.memref_slice %arg15[%dma_start3A_265] : memref<128xi32, #tpu.memory_space<vmem>> -> memref<64xi32, #tpu.memory_space<vmem>>
        %dma_start3A_267 = arith.constant 0 : i32
        %dma_start3A_268 = arith.constant 0 : i32
        %dma_start3A_269 = tpu.memref_slice %arg2[%dma_start3A_267, %dma_start3A_268] : memref<160000x128xf32, #tpu.memory_space<hbm>> -> memref<160000x128xf32, #tpu.memory_space<hbm>>
        tpu.enqueue_indirect_dma source(%dma_start3A_269 : memref<160000x128xf32, #tpu.memory_space<hbm>>) target(%dma_start3A_264 : memref<64x128xf32, #tpu.memory_space<vmem>>) offsets(%dma_start3A_266 : memref<64xi32, #tpu.memory_space<vmem>>) semaphore(%arg21 : memref<!tpu.dma_semaphore, #tpu.memory_space<semaphore_mem>>)
      } else {
      }
      %dma_wait3A = arith.constant 0 : i32
      %dma_wait3A_97 = arith.constant 0 : i32
      %dma_wait3A_98 = tpu.memref_slice %arg16[%dma_wait3A, %dma_wait3A_97] : memref<128x128xf32, #tpu.memory_space<vmem>> -> memref<64x128xf32, #tpu.memory_space<vmem>>
      %dma_wait3A_99 = arith.constant 0 : i32
      %dma_wait3A_100 = tpu.memref_slice %arg11[%dma_wait3A_99] : memref<128xi32, #tpu.memory_space<vmem>> -> memref<64xi32, #tpu.memory_space<vmem>>
      %dma_wait3A_101 = arith.constant 0 : i32
      %dma_wait3A_102 = arith.constant 0 : i32
      %dma_wait3A_103 = tpu.memref_slice %arg2[%dma_wait3A_101, %dma_wait3A_102] : memref<160000x128xf32, #tpu.memory_space<hbm>> -> memref<160000x128xf32, #tpu.memory_space<hbm>>
      tpu.wait_indirect_dma semaphore(%arg20 : memref<!tpu.dma_semaphore, #tpu.memory_space<semaphore_mem>>) src(%dma_wait3A_103 : memref<160000x128xf32, #tpu.memory_space<hbm>>) dst(%dma_wait3A_98 : memref<64x128xf32, #tpu.memory_space<vmem>>)
      %dma_wait3A_104 = arith.constant 64 : i32
      %dma_wait3A_105 = arith.constant 0 : i32
      %dma_wait3A_106 = tpu.memref_slice %arg16[%dma_wait3A_104, %dma_wait3A_105] : memref<128x128xf32, #tpu.memory_space<vmem>> -> memref<64x128xf32, #tpu.memory_space<vmem>>
      %dma_wait3A_107 = arith.constant 64 : i32
      %dma_wait3A_108 = tpu.memref_slice %arg11[%dma_wait3A_107] : memref<128xi32, #tpu.memory_space<vmem>> -> memref<64xi32, #tpu.memory_space<vmem>>
      %dma_wait3A_109 = arith.constant 0 : i32
      %dma_wait3A_110 = arith.constant 0 : i32
      %dma_wait3A_111 = tpu.memref_slice %arg2[%dma_wait3A_109, %dma_wait3A_110] : memref<160000x128xf32, #tpu.memory_space<hbm>> -> memref<160000x128xf32, #tpu.memory_space<hbm>>
      tpu.wait_indirect_dma semaphore(%arg20 : memref<!tpu.dma_semaphore, #tpu.memory_space<semaphore_mem>>) src(%dma_wait3A_111 : memref<160000x128xf32, #tpu.memory_space<hbm>>) dst(%dma_wait3A_106 : memref<64x128xf32, #tpu.memory_space<vmem>>)
      "tpu.region"() ({
        %run_scoped3A = tpu.sem_alloc : memref<!tpu.dma_semaphore, #tpu.memory_space<semaphore_mem>>
        %dma_start3A = arith.constant 0 : i32
        %dma_start3A_171 = arith.constant 0 : i32
        %dma_start3A_172 = tpu.memref_slice %arg19[%dma_start3A, %dma_start3A_171] : memref<10112x128xf32, #tpu.memory_space<vmem_shared>> -> memref<10112x128xf32, #tpu.memory_space<vmem_shared>>
        tpu.enqueue_indirect_dma source(%arg16 : memref<128x128xf32, #tpu.memory_space<vmem>>) target(%dma_start3A_172 : memref<10112x128xf32, #tpu.memory_space<vmem_shared>>) offsets(%arg10 : memref<128xi32, #tpu.memory_space<vmem>>) semaphore(%run_scoped3A : memref<!tpu.dma_semaphore, #tpu.memory_space<semaphore_mem>>) {add = true}
        %dma_wait3A_173 = arith.constant 0 : i32
        %dma_wait3A_174 = arith.constant 0 : i32
        %dma_wait3A_175 = tpu.memref_slice %arg19[%dma_wait3A_173, %dma_wait3A_174] : memref<10112x128xf32, #tpu.memory_space<vmem_shared>> -> memref<10112x128xf32, #tpu.memory_space<vmem_shared>>
        tpu.wait_indirect_dma semaphore(%run_scoped3A : memref<!tpu.dma_semaphore, #tpu.memory_space<semaphore_mem>>) src(%arg16 : memref<128x128xf32, #tpu.memory_space<vmem>>) dst(%dma_wait3A_175 : memref<10112x128xf32, #tpu.memory_space<vmem_shared>>)
        tpu.yield
      }) : () -> ()
      %get3A = arith.constant 0 : index
      %get3A_112 = tpu.vector_load %arg10[%get3A] {strides = array<i32>} : memref<128xi32, #tpu.memory_space<vmem>>, vector<16xi32>,
      tpu.vector_store_idx %arg18[%get3A_112], %broadcast_in_dim3A_3 {add = true} : memref<10112xf32, #tpu.memory_space<vmem>>[vector<16xi32>], vector<16xf32>,
      %get3A_113 = arith.constant 16 : index
      %get3A_114 = tpu.vector_load %arg10[%get3A_113] {strides = array<i32>} : memref<128xi32, #tpu.memory_space<vmem>>, vector<16xi32>,
      tpu.vector_store_idx %arg18[%get3A_114], %broadcast_in_dim3A_3 {add = true} : memref<10112xf32, #tpu.memory_space<vmem>>[vector<16xi32>], vector<16xf32>,
      %get3A_115 = arith.constant 32 : index
      %get3A_116 = tpu.vector_load %arg10[%get3A_115] {strides = array<i32>} : memref<128xi32, #tpu.memory_space<vmem>>, vector<16xi32>,
      tpu.vector_store_idx %arg18[%get3A_116], %broadcast_in_dim3A_3 {add = true} : memref<10112xf32, #tpu.memory_space<vmem>>[vector<16xi32>], vector<16xf32>,
      %get3A_117 = arith.constant 48 : index
      %get3A_118 = tpu.vector_load %arg10[%get3A_117] {strides = array<i32>} : memref<128xi32, #tpu.memory_space<vmem>>, vector<16xi32>,
      tpu.vector_store_idx %arg18[%get3A_118], %broadcast_in_dim3A_3 {add = true} : memref<10112xf32, #tpu.memory_space<vmem>>[vector<16xi32>], vector<16xf32>,
      %get3A_119 = arith.constant 64 : index
      %get3A_120 = tpu.vector_load %arg10[%get3A_119] {strides = array<i32>} : memref<128xi32, #tpu.memory_space<vmem>>, vector<16xi32>,
      tpu.vector_store_idx %arg18[%get3A_120], %broadcast_in_dim3A_3 {add = true} : memref<10112xf32, #tpu.memory_space<vmem>>[vector<16xi32>], vector<16xf32>,
      %get3A_121 = arith.constant 80 : index
      %get3A_122 = tpu.vector_load %arg10[%get3A_121] {strides = array<i32>} : memref<128xi32, #tpu.memory_space<vmem>>, vector<16xi32>,
      tpu.vector_store_idx %arg18[%get3A_122], %broadcast_in_dim3A_3 {add = true} : memref<10112xf32, #tpu.memory_space<vmem>>[vector<16xi32>], vector<16xf32>,
      %get3A_123 = arith.constant 96 : index
      %get3A_124 = tpu.vector_load %arg10[%get3A_123] {strides = array<i32>} : memref<128xi32, #tpu.memory_space<vmem>>, vector<16xi32>,
      tpu.vector_store_idx %arg18[%get3A_124], %broadcast_in_dim3A_3 {add = true} : memref<10112xf32, #tpu.memory_space<vmem>>[vector<16xi32>], vector<16xf32>,
      %get3A_125 = arith.constant 112 : index
      %get3A_126 = tpu.vector_load %arg10[%get3A_125] {strides = array<i32>} : memref<128xi32, #tpu.memory_space<vmem>>, vector<16xi32>,
      tpu.vector_store_idx %arg18[%get3A_126], %broadcast_in_dim3A_3 {add = true} : memref<10112xf32, #tpu.memory_space<vmem>>[vector<16xi32>], vector<16xf32>,
      %mul3A_127 = arith.constant 2 : i32
      %mul3A_128 = arith.muli %mul3A_127, %while3A_85 : i32
      %add3A_129 = arith.constant 1 : i32
      %add3A_130 = arith.addi %mul3A_128, %add3A_129 : i32
      %add3A_131 = arith.constant 1 : i32
      %add3A_132 = arith.addi %add3A_130, %add3A_131 : i32
      %sub3A_133 = arith.constant 1 : i32
      %sub3A_134 = arith.subi %select_n3A, %sub3A_133 : i32
      %le3A_135 = arith.cmpi sle, %add3A_132, %sub3A_134 : i32
      %convert_element_type3A_136 = arith.extui %le3A_135 : i1 to i32
      %cond3A_137 = arith.constant 0 : i32
      %cond3A_138 = arith.cmpi ne, %convert_element_type3A_136, %cond3A_137 : i32
      scf.if %cond3A_138 {
        %add3A_171 = arith.constant 1 : i32
        %add3A_172 = arith.addi %add3A_130, %add3A_171 : i32
        %mul3A_173 = arith.constant 128 : i32
        %mul3A_174 = arith.muli %add3A_172, %mul3A_173 : i32
        %add3A_175 = arith.addi %select_n3A_45, %mul3A_174 : i32
        "tpu.region"() ({
          %run_scoped3A = tpu.sem_alloc : memref<!tpu.dma_semaphore, #tpu.memory_space<semaphore_mem>>
          %dma_start3A_270 = tpu.memref_slice %arg3[%add3A_175] : memref<327680xi32, #tpu.memory_space<hbm>> -> memref<128xi32, #tpu.memory_space<hbm>>
          %dma_start3A_271 = tpu.memref_slice %arg3[%add3A_175] : memref<327680xi32, #tpu.memory_space<hbm>> -> memref<128xi32, #tpu.memory_space<hbm>>
          tpu.enqueue_dma source(%dma_start3A_271 : memref<128xi32, #tpu.memory_space<hbm>>) target(%arg8 : memref<128xi32, #tpu.memory_space<vmem>>) target_semaphore(%run_scoped3A : memref<!tpu.dma_semaphore, #tpu.memory_space<semaphore_mem>>)
          %dma_wait3A_272 = tpu.memref_slice %arg3[%add3A_175] : memref<327680xi32, #tpu.memory_space<hbm>> -> memref<128xi32, #tpu.memory_space<hbm>>
          %dma_wait3A_273 = tpu.memref_slice %arg3[%add3A_175] : memref<327680xi32, #tpu.memory_space<hbm>> -> memref<128xi32, #tpu.memory_space<hbm>>
          tpu.wait_dma2 semaphore(%run_scoped3A : memref<!tpu.dma_semaphore, #tpu.memory_space<semaphore_mem>>) src(%dma_wait3A_273 : memref<128xi32, #tpu.memory_space<hbm>>) dst(%arg8 : memref<128xi32, #tpu.memory_space<vmem>>)
          tpu.yield
        }) : () -> ()
        "tpu.region"() ({
          %run_scoped3A = tpu.sem_alloc : memref<!tpu.dma_semaphore, #tpu.memory_space<semaphore_mem>>
          %dma_start3A_270 = tpu.memref_slice %arg4[%add3A_175] : memref<327680xi32, #tpu.memory_space<hbm>> -> memref<128xi32, #tpu.memory_space<hbm>>
          %dma_start3A_271 = tpu.memref_slice %arg4[%add3A_175] : memref<327680xi32, #tpu.memory_space<hbm>> -> memref<128xi32, #tpu.memory_space<hbm>>
          tpu.enqueue_dma source(%dma_start3A_271 : memref<128xi32, #tpu.memory_space<hbm>>) target(%arg9 : memref<128xi32, #tpu.memory_space<vmem>>) target_semaphore(%run_scoped3A : memref<!tpu.dma_semaphore, #tpu.memory_space<semaphore_mem>>)
          %dma_wait3A_272 = tpu.memref_slice %arg4[%add3A_175] : memref<327680xi32, #tpu.memory_space<hbm>> -> memref<128xi32, #tpu.memory_space<hbm>>
          %dma_wait3A_273 = tpu.memref_slice %arg4[%add3A_175] : memref<327680xi32, #tpu.memory_space<hbm>> -> memref<128xi32, #tpu.memory_space<hbm>>
          tpu.wait_dma2 semaphore(%run_scoped3A : memref<!tpu.dma_semaphore, #tpu.memory_space<semaphore_mem>>) src(%dma_wait3A_273 : memref<128xi32, #tpu.memory_space<hbm>>) dst(%arg9 : memref<128xi32, #tpu.memory_space<vmem>>)
          tpu.yield
        }) : () -> ()
        "tpu.region"() ({
          %run_scoped3A = tpu.sem_alloc : memref<!tpu.dma_semaphore, #tpu.memory_space<semaphore_mem>>
          %dma_start3A_270 = tpu.memref_slice %arg5[%add3A_175] : memref<327680xi32, #tpu.memory_space<hbm>> -> memref<128xi32, #tpu.memory_space<hbm>>
          %dma_start3A_271 = tpu.memref_slice %arg5[%add3A_175] : memref<327680xi32, #tpu.memory_space<hbm>> -> memref<128xi32, #tpu.memory_space<hbm>>
          tpu.enqueue_dma source(%dma_start3A_271 : memref<128xi32, #tpu.memory_space<hbm>>) target(%arg10 : memref<128xi32, #tpu.memory_space<vmem>>) target_semaphore(%run_scoped3A : memref<!tpu.dma_semaphore, #tpu.memory_space<semaphore_mem>>)
          %dma_wait3A_272 = tpu.memref_slice %arg5[%add3A_175] : memref<327680xi32, #tpu.memory_space<hbm>> -> memref<128xi32, #tpu.memory_space<hbm>>
          %dma_wait3A_273 = tpu.memref_slice %arg5[%add3A_175] : memref<327680xi32, #tpu.memory_space<hbm>> -> memref<128xi32, #tpu.memory_space<hbm>>
          tpu.wait_dma2 semaphore(%run_scoped3A : memref<!tpu.dma_semaphore, #tpu.memory_space<semaphore_mem>>) src(%dma_wait3A_273 : memref<128xi32, #tpu.memory_space<hbm>>) dst(%arg10 : memref<128xi32, #tpu.memory_space<vmem>>)
          tpu.yield
        }) : () -> ()
        %get3A_176 = arith.constant 0 : index
        %get3A_177 = tpu.vector_load %arg8[%get3A_176] {strides = array<i32>} : memref<128xi32, #tpu.memory_space<vmem>>, vector<16xi32>,
        %get3A_178 = arith.constant 0 : index
        %get3A_179 = tpu.vector_load %arg9[%get3A_178] {strides = array<i32>} : memref<128xi32, #tpu.memory_space<vmem>>, vector<16xi32>,
        %mul3A_180 = arith.constant 10000 : i32
        %mul3A_181 = vector.broadcast %mul3A_180 : i32 to vector<16xi32>
        %mul3A_182 = arith.muli %get3A_179, %mul3A_181 : vector<16xi32>
        %add3A_183 = arith.addi %mul3A_182, %get3A_177 : vector<16xi32>
        %swap3A = arith.constant 0 : index
        %swap3A_184 = tpu.vector_load %arg11[%swap3A] {strides = array<i32>} : memref<128xi32, #tpu.memory_space<vmem>>, vector<16xi32>,
        tpu.vector_store %arg11[%swap3A], %add3A_183 {strides = array<i32>} : memref<128xi32, #tpu.memory_space<vmem>>, vector<16xi32>,
        %get3A_185 = arith.constant 16 : index
        %get3A_186 = tpu.vector_load %arg8[%get3A_185] {strides = array<i32>} : memref<128xi32, #tpu.memory_space<vmem>>, vector<16xi32>,
        %get3A_187 = arith.constant 16 : index
        %get3A_188 = tpu.vector_load %arg9[%get3A_187] {strides = array<i32>} : memref<128xi32, #tpu.memory_space<vmem>>, vector<16xi32>,
        %mul3A_189 = arith.constant 10000 : i32
        %mul3A_190 = vector.broadcast %mul3A_189 : i32 to vector<16xi32>
        %mul3A_191 = arith.muli %get3A_188, %mul3A_190 : vector<16xi32>
        %add3A_192 = arith.addi %mul3A_191, %get3A_186 : vector<16xi32>
        %swap3A_193 = arith.constant 16 : index
        %swap3A_194 = tpu.vector_load %arg11[%swap3A_193] {strides = array<i32>} : memref<128xi32, #tpu.memory_space<vmem>>, vector<16xi32>,
        tpu.vector_store %arg11[%swap3A_193], %add3A_192 {strides = array<i32>} : memref<128xi32, #tpu.memory_space<vmem>>, vector<16xi32>,
        %get3A_195 = arith.constant 32 : index
        %get3A_196 = tpu.vector_load %arg8[%get3A_195] {strides = array<i32>} : memref<128xi32, #tpu.memory_space<vmem>>, vector<16xi32>,
        %get3A_197 = arith.constant 32 : index
        %get3A_198 = tpu.vector_load %arg9[%get3A_197] {strides = array<i32>} : memref<128xi32, #tpu.memory_space<vmem>>, vector<16xi32>,
        %mul3A_199 = arith.constant 10000 : i32
        %mul3A_200 = vector.broadcast %mul3A_199 : i32 to vector<16xi32>
        %mul3A_201 = arith.muli %get3A_198, %mul3A_200 : vector<16xi32>
        %add3A_202 = arith.addi %mul3A_201, %get3A_196 : vector<16xi32>
        %swap3A_203 = arith.constant 32 : index
        %swap3A_204 = tpu.vector_load %arg11[%swap3A_203] {strides = array<i32>} : memref<128xi32, #tpu.memory_space<vmem>>, vector<16xi32>,
        tpu.vector_store %arg11[%swap3A_203], %add3A_202 {strides = array<i32>} : memref<128xi32, #tpu.memory_space<vmem>>, vector<16xi32>,
        %get3A_205 = arith.constant 48 : index
        %get3A_206 = tpu.vector_load %arg8[%get3A_205] {strides = array<i32>} : memref<128xi32, #tpu.memory_space<vmem>>, vector<16xi32>,
        %get3A_207 = arith.constant 48 : index
        %get3A_208 = tpu.vector_load %arg9[%get3A_207] {strides = array<i32>} : memref<128xi32, #tpu.memory_space<vmem>>, vector<16xi32>,
        %mul3A_209 = arith.constant 10000 : i32
        %mul3A_210 = vector.broadcast %mul3A_209 : i32 to vector<16xi32>
        %mul3A_211 = arith.muli %get3A_208, %mul3A_210 : vector<16xi32>
        %add3A_212 = arith.addi %mul3A_211, %get3A_206 : vector<16xi32>
        %swap3A_213 = arith.constant 48 : index
        %swap3A_214 = tpu.vector_load %arg11[%swap3A_213] {strides = array<i32>} : memref<128xi32, #tpu.memory_space<vmem>>, vector<16xi32>,
        tpu.vector_store %arg11[%swap3A_213], %add3A_212 {strides = array<i32>} : memref<128xi32, #tpu.memory_space<vmem>>, vector<16xi32>,
        %get3A_215 = arith.constant 64 : index
        %get3A_216 = tpu.vector_load %arg8[%get3A_215] {strides = array<i32>} : memref<128xi32, #tpu.memory_space<vmem>>, vector<16xi32>,
        %get3A_217 = arith.constant 64 : index
        %get3A_218 = tpu.vector_load %arg9[%get3A_217] {strides = array<i32>} : memref<128xi32, #tpu.memory_space<vmem>>, vector<16xi32>,
        %mul3A_219 = arith.constant 10000 : i32
        %mul3A_220 = vector.broadcast %mul3A_219 : i32 to vector<16xi32>
        %mul3A_221 = arith.muli %get3A_218, %mul3A_220 : vector<16xi32>
        %add3A_222 = arith.addi %mul3A_221, %get3A_216 : vector<16xi32>
        %swap3A_223 = arith.constant 64 : index
        %swap3A_224 = tpu.vector_load %arg11[%swap3A_223] {strides = array<i32>} : memref<128xi32, #tpu.memory_space<vmem>>, vector<16xi32>,
        tpu.vector_store %arg11[%swap3A_223], %add3A_222 {strides = array<i32>} : memref<128xi32, #tpu.memory_space<vmem>>, vector<16xi32>,
        %get3A_225 = arith.constant 80 : index
        %get3A_226 = tpu.vector_load %arg8[%get3A_225] {strides = array<i32>} : memref<128xi32, #tpu.memory_space<vmem>>, vector<16xi32>,
        %get3A_227 = arith.constant 80 : index
        %get3A_228 = tpu.vector_load %arg9[%get3A_227] {strides = array<i32>} : memref<128xi32, #tpu.memory_space<vmem>>, vector<16xi32>,
        %mul3A_229 = arith.constant 10000 : i32
        %mul3A_230 = vector.broadcast %mul3A_229 : i32 to vector<16xi32>
        %mul3A_231 = arith.muli %get3A_228, %mul3A_230 : vector<16xi32>
        %add3A_232 = arith.addi %mul3A_231, %get3A_226 : vector<16xi32>
        %swap3A_233 = arith.constant 80 : index
        %swap3A_234 = tpu.vector_load %arg11[%swap3A_233] {strides = array<i32>} : memref<128xi32, #tpu.memory_space<vmem>>, vector<16xi32>,
        tpu.vector_store %arg11[%swap3A_233], %add3A_232 {strides = array<i32>} : memref<128xi32, #tpu.memory_space<vmem>>, vector<16xi32>,
        %get3A_235 = arith.constant 96 : index
        %get3A_236 = tpu.vector_load %arg8[%get3A_235] {strides = array<i32>} : memref<128xi32, #tpu.memory_space<vmem>>, vector<16xi32>,
        %get3A_237 = arith.constant 96 : index
        %get3A_238 = tpu.vector_load %arg9[%get3A_237] {strides = array<i32>} : memref<128xi32, #tpu.memory_space<vmem>>, vector<16xi32>,
        %mul3A_239 = arith.constant 10000 : i32
        %mul3A_240 = vector.broadcast %mul3A_239 : i32 to vector<16xi32>
        %mul3A_241 = arith.muli %get3A_238, %mul3A_240 : vector<16xi32>
        %add3A_242 = arith.addi %mul3A_241, %get3A_236 : vector<16xi32>
        %swap3A_243 = arith.constant 96 : index
        %swap3A_244 = tpu.vector_load %arg11[%swap3A_243] {strides = array<i32>} : memref<128xi32, #tpu.memory_space<vmem>>, vector<16xi32>,
        tpu.vector_store %arg11[%swap3A_243], %add3A_242 {strides = array<i32>} : memref<128xi32, #tpu.memory_space<vmem>>, vector<16xi32>,
        %get3A_245 = arith.constant 112 : index
        %get3A_246 = tpu.vector_load %arg8[%get3A_245] {strides = array<i32>} : memref<128xi32, #tpu.memory_space<vmem>>, vector<16xi32>,
        %get3A_247 = arith.constant 112 : index
        %get3A_248 = tpu.vector_load %arg9[%get3A_247] {strides = array<i32>} : memref<128xi32, #tpu.memory_space<vmem>>, vector<16xi32>,
        %mul3A_249 = arith.constant 10000 : i32
        %mul3A_250 = vector.broadcast %mul3A_249 : i32 to vector<16xi32>
        %mul3A_251 = arith.muli %get3A_248, %mul3A_250 : vector<16xi32>
        %add3A_252 = arith.addi %mul3A_251, %get3A_246 : vector<16xi32>
        %swap3A_253 = arith.constant 112 : index
        %swap3A_254 = tpu.vector_load %arg11[%swap3A_253] {strides = array<i32>} : memref<128xi32, #tpu.memory_space<vmem>>, vector<16xi32>,
        tpu.vector_store %arg11[%swap3A_253], %add3A_252 {strides = array<i32>} : memref<128xi32, #tpu.memory_space<vmem>>, vector<16xi32>,
        %dma_start3A = arith.constant 0 : i32
        %dma_start3A_255 = arith.constant 0 : i32
        %dma_start3A_256 = tpu.memref_slice %arg16[%dma_start3A, %dma_start3A_255] : memref<128x128xf32, #tpu.memory_space<vmem>> -> memref<64x128xf32, #tpu.memory_space<vmem>>
        %dma_start3A_257 = arith.constant 0 : i32
        %dma_start3A_258 = tpu.memref_slice %arg11[%dma_start3A_257] : memref<128xi32, #tpu.memory_space<vmem>> -> memref<64xi32, #tpu.memory_space<vmem>>
        %dma_start3A_259 = arith.constant 0 : i32
        %dma_start3A_260 = arith.constant 0 : i32
        %dma_start3A_261 = tpu.memref_slice %arg2[%dma_start3A_259, %dma_start3A_260] : memref<160000x128xf32, #tpu.memory_space<hbm>> -> memref<160000x128xf32, #tpu.memory_space<hbm>>
        tpu.enqueue_indirect_dma source(%dma_start3A_261 : memref<160000x128xf32, #tpu.memory_space<hbm>>) target(%dma_start3A_256 : memref<64x128xf32, #tpu.memory_space<vmem>>) offsets(%dma_start3A_258 : memref<64xi32, #tpu.memory_space<vmem>>) semaphore(%arg20 : memref<!tpu.dma_semaphore, #tpu.memory_space<semaphore_mem>>)
        %dma_start3A_262 = arith.constant 64 : i32
        %dma_start3A_263 = arith.constant 0 : i32
        %dma_start3A_264 = tpu.memref_slice %arg16[%dma_start3A_262, %dma_start3A_263] : memref<128x128xf32, #tpu.memory_space<vmem>> -> memref<64x128xf32, #tpu.memory_space<vmem>>
        %dma_start3A_265 = arith.constant 64 : i32
        %dma_start3A_266 = tpu.memref_slice %arg11[%dma_start3A_265] : memref<128xi32, #tpu.memory_space<vmem>> -> memref<64xi32, #tpu.memory_space<vmem>>
        %dma_start3A_267 = arith.constant 0 : i32
        %dma_start3A_268 = arith.constant 0 : i32
        %dma_start3A_269 = tpu.memref_slice %arg2[%dma_start3A_267, %dma_start3A_268] : memref<160000x128xf32, #tpu.memory_space<hbm>> -> memref<160000x128xf32, #tpu.memory_space<hbm>>
        tpu.enqueue_indirect_dma source(%dma_start3A_269 : memref<160000x128xf32, #tpu.memory_space<hbm>>) target(%dma_start3A_264 : memref<64x128xf32, #tpu.memory_space<vmem>>) offsets(%dma_start3A_266 : memref<64xi32, #tpu.memory_space<vmem>>) semaphore(%arg20 : memref<!tpu.dma_semaphore, #tpu.memory_space<semaphore_mem>>)
      } else {
      }
      %dma_wait3A_139 = arith.constant 0 : i32
      %dma_wait3A_140 = arith.constant 0 : i32
      %dma_wait3A_141 = tpu.memref_slice %arg17[%dma_wait3A_139, %dma_wait3A_140] : memref<128x128xf32, #tpu.memory_space<vmem>> -> memref<64x128xf32, #tpu.memory_space<vmem>>
      %dma_wait3A_142 = arith.constant 0 : i32
      %dma_wait3A_143 = tpu.memref_slice %arg15[%dma_wait3A_142] : memref<128xi32, #tpu.memory_space<vmem>> -> memref<64xi32, #tpu.memory_space<vmem>>
      %dma_wait3A_144 = arith.constant 0 : i32
      %dma_wait3A_145 = arith.constant 0 : i32
      %dma_wait3A_146 = tpu.memref_slice %arg2[%dma_wait3A_144, %dma_wait3A_145] : memref<160000x128xf32, #tpu.memory_space<hbm>> -> memref<160000x128xf32, #tpu.memory_space<hbm>>
      tpu.wait_indirect_dma semaphore(%arg21 : memref<!tpu.dma_semaphore, #tpu.memory_space<semaphore_mem>>) src(%dma_wait3A_146 : memref<160000x128xf32, #tpu.memory_space<hbm>>) dst(%dma_wait3A_141 : memref<64x128xf32, #tpu.memory_space<vmem>>)
      %dma_wait3A_147 = arith.constant 64 : i32
      %dma_wait3A_148 = arith.constant 0 : i32
      %dma_wait3A_149 = tpu.memref_slice %arg17[%dma_wait3A_147, %dma_wait3A_148] : memref<128x128xf32, #tpu.memory_space<vmem>> -> memref<64x128xf32, #tpu.memory_space<vmem>>
      %dma_wait3A_150 = arith.constant 64 : i32
      %dma_wait3A_151 = tpu.memref_slice %arg15[%dma_wait3A_150] : memref<128xi32, #tpu.memory_space<vmem>> -> memref<64xi32, #tpu.memory_space<vmem>>
      %dma_wait3A_152 = arith.constant 0 : i32
      %dma_wait3A_153 = arith.constant 0 : i32
      %dma_wait3A_154 = tpu.memref_slice %arg2[%dma_wait3A_152, %dma_wait3A_153] : memref<160000x128xf32, #tpu.memory_space<hbm>> -> memref<160000x128xf32, #tpu.memory_space<hbm>>
      tpu.wait_indirect_dma semaphore(%arg21 : memref<!tpu.dma_semaphore, #tpu.memory_space<semaphore_mem>>) src(%dma_wait3A_154 : memref<160000x128xf32, #tpu.memory_space<hbm>>) dst(%dma_wait3A_149 : memref<64x128xf32, #tpu.memory_space<vmem>>)
      "tpu.region"() ({
        %run_scoped3A = tpu.sem_alloc : memref<!tpu.dma_semaphore, #tpu.memory_space<semaphore_mem>>
        %dma_start3A = arith.constant 0 : i32
        %dma_start3A_171 = arith.constant 0 : i32
        %dma_start3A_172 = tpu.memref_slice %arg19[%dma_start3A, %dma_start3A_171] : memref<10112x128xf32, #tpu.memory_space<vmem_shared>> -> memref<10112x128xf32, #tpu.memory_space<vmem_shared>>
        tpu.enqueue_indirect_dma source(%arg17 : memref<128x128xf32, #tpu.memory_space<vmem>>) target(%dma_start3A_172 : memref<10112x128xf32, #tpu.memory_space<vmem_shared>>) offsets(%arg14 : memref<128xi32, #tpu.memory_space<vmem>>) semaphore(%run_scoped3A : memref<!tpu.dma_semaphore, #tpu.memory_space<semaphore_mem>>) {add = true}
        %dma_wait3A_173 = arith.constant 0 : i32
        %dma_wait3A_174 = arith.constant 0 : i32
        %dma_wait3A_175 = tpu.memref_slice %arg19[%dma_wait3A_173, %dma_wait3A_174] : memref<10112x128xf32, #tpu.memory_space<vmem_shared>> -> memref<10112x128xf32, #tpu.memory_space<vmem_shared>>
        tpu.wait_indirect_dma semaphore(%run_scoped3A : memref<!tpu.dma_semaphore, #tpu.memory_space<semaphore_mem>>) src(%arg17 : memref<128x128xf32, #tpu.memory_space<vmem>>) dst(%dma_wait3A_175 : memref<10112x128xf32, #tpu.memory_space<vmem_shared>>)
        tpu.yield
      }) : () -> ()
      %get3A_155 = arith.constant 0 : index
      %get3A_156 = tpu.vector_load %arg14[%get3A_155] {strides = array<i32>} : memref<128xi32, #tpu.memory_space<vmem>>, vector<16xi32>,
      tpu.vector_store_idx %arg18[%get3A_156], %broadcast_in_dim3A_3 {add = true} : memref<10112xf32, #tpu.memory_space<vmem>>[vector<16xi32>], vector<16xf32>,
      %get3A_157 = arith.constant 16 : index
      %get3A_158 = tpu.vector_load %arg14[%get3A_157] {strides = array<i32>} : memref<128xi32, #tpu.memory_space<vmem>>, vector<16xi32>,
      tpu.vector_store_idx %arg18[%get3A_158], %broadcast_in_dim3A_3 {add = true} : memref<10112xf32, #tpu.memory_space<vmem>>[vector<16xi32>], vector<16xf32>,
      %get3A_159 = arith.constant 32 : index
      %get3A_160 = tpu.vector_load %arg14[%get3A_159] {strides = array<i32>} : memref<128xi32, #tpu.memory_space<vmem>>, vector<16xi32>,
      tpu.vector_store_idx %arg18[%get3A_160], %broadcast_in_dim3A_3 {add = true} : memref<10112xf32, #tpu.memory_space<vmem>>[vector<16xi32>], vector<16xf32>,
      %get3A_161 = arith.constant 48 : index
      %get3A_162 = tpu.vector_load %arg14[%get3A_161] {strides = array<i32>} : memref<128xi32, #tpu.memory_space<vmem>>, vector<16xi32>,
      tpu.vector_store_idx %arg18[%get3A_162], %broadcast_in_dim3A_3 {add = true} : memref<10112xf32, #tpu.memory_space<vmem>>[vector<16xi32>], vector<16xf32>,
      %get3A_163 = arith.constant 64 : index
      %get3A_164 = tpu.vector_load %arg14[%get3A_163] {strides = array<i32>} : memref<128xi32, #tpu.memory_space<vmem>>, vector<16xi32>,
      tpu.vector_store_idx %arg18[%get3A_164], %broadcast_in_dim3A_3 {add = true} : memref<10112xf32, #tpu.memory_space<vmem>>[vector<16xi32>], vector<16xf32>,
      %get3A_165 = arith.constant 80 : index
      %get3A_166 = tpu.vector_load %arg14[%get3A_165] {strides = array<i32>} : memref<128xi32, #tpu.memory_space<vmem>>, vector<16xi32>,
      tpu.vector_store_idx %arg18[%get3A_166], %broadcast_in_dim3A_3 {add = true} : memref<10112xf32, #tpu.memory_space<vmem>>[vector<16xi32>], vector<16xf32>,
      %get3A_167 = arith.constant 96 : index
      %get3A_168 = tpu.vector_load %arg14[%get3A_167] {strides = array<i32>} : memref<128xi32, #tpu.memory_space<vmem>>, vector<16xi32>,
      tpu.vector_store_idx %arg18[%get3A_168], %broadcast_in_dim3A_3 {add = true} : memref<10112xf32, #tpu.memory_space<vmem>>[vector<16xi32>], vector<16xf32>,
      %get3A_169 = arith.constant 112 : index
      %get3A_170 = tpu.vector_load %arg14[%get3A_169] {strides = array<i32>} : memref<128xi32, #tpu.memory_space<vmem>>, vector<16xi32>,
      tpu.vector_store_idx %arg18[%get3A_170], %broadcast_in_dim3A_3 {add = true} : memref<10112xf32, #tpu.memory_space<vmem>>[vector<16xi32>], vector<16xf32>,
    }
    %barrier3A_75 = arith.constant 0 : index
    tpu.barrier barrier_id(%barrier3A_75)
    %mul3A_76 = arith.constant 632 : i32
    %mul3A_77 = arith.muli %arg1, %mul3A_76 : i32
    %mul3A_78 = arith.constant 10112 : i32
    %mul3A_79 = arith.muli %arg0, %mul3A_78 : i32
    %mul3A_80 = arith.constant 632 : i32
    %mul3A_81 = arith.muli %arg1, %mul3A_80 : i32
    %add3A_82 = arith.addi %mul3A_79, %mul3A_81 : i32
    "tpu.region"() ({
      %run_scoped3A = tpu.sem_alloc : memref<!tpu.dma_semaphore, #tpu.memory_space<semaphore_mem>>
      %dma_start3A = arith.constant 0 : i32
      %dma_start3A_85 = tpu.memref_slice %arg6[%add3A_82, %dma_start3A] : memref<20224x128xf32, #tpu.memory_space<hbm>> -> memref<632x128xf32, #tpu.memory_space<hbm>>
      %dma_start3A_86 = arith.constant 0 : i32
      %dma_start3A_87 = tpu.memref_slice %arg19[%mul3A_77, %dma_start3A_86] : memref<10112x128xf32, #tpu.memory_space<vmem_shared>> -> memref<632x128xf32, #tpu.memory_space<vmem_shared>>
      tpu.enqueue_dma source(%dma_start3A_87 : memref<632x128xf32, #tpu.memory_space<vmem_shared>>) target(%dma_start3A_85 : memref<632x128xf32, #tpu.memory_space<hbm>>) target_semaphore(%run_scoped3A : memref<!tpu.dma_semaphore, #tpu.memory_space<semaphore_mem>>)
      %dma_wait3A = arith.constant 0 : i32
      %dma_wait3A_88 = tpu.memref_slice %arg6[%add3A_82, %dma_wait3A] : memref<20224x128xf32, #tpu.memory_space<hbm>> -> memref<632x128xf32, #tpu.memory_space<hbm>>
      %dma_wait3A_89 = arith.constant 0 : i32
      %dma_wait3A_90 = tpu.memref_slice %arg19[%mul3A_77, %dma_wait3A_89] : memref<10112x128xf32, #tpu.memory_space<vmem_shared>> -> memref<632x128xf32, #tpu.memory_space<vmem_shared>>
      tpu.wait_dma2 semaphore(%run_scoped3A : memref<!tpu.dma_semaphore, #tpu.memory_space<semaphore_mem>>) src(%dma_wait3A_90 : memref<632x128xf32, #tpu.memory_space<vmem_shared>>) dst(%dma_wait3A_88 : memref<632x128xf32, #tpu.memory_space<hbm>>)
      tpu.yield
    }) : () -> ()
    %mul3A_83 = arith.constant 10112 : i32
    %mul3A_84 = arith.muli %add3A, %mul3A_83 : i32
    "tpu.region"() ({
      %run_scoped3A = tpu.sem_alloc : memref<!tpu.dma_semaphore, #tpu.memory_space<semaphore_mem>>
      %dma_start3A = tpu.memref_slice %arg7[%mul3A_84] : memref<323584xf32, #tpu.memory_space<hbm>> -> memref<10112xf32, #tpu.memory_space<hbm>>
      %dma_start3A_85 = tpu.memref_slice %arg7[%mul3A_84] : memref<323584xf32, #tpu.memory_space<hbm>> -> memref<10112xf32, #tpu.memory_space<hbm>>
      tpu.enqueue_dma source(%arg18 : memref<10112xf32, #tpu.memory_space<vmem>>) target(%dma_start3A_85 : memref<10112xf32, #tpu.memory_space<hbm>>) target_semaphore(%run_scoped3A : memref<!tpu.dma_semaphore, #tpu.memory_space<semaphore_mem>>)
      %dma_wait3A = tpu.memref_slice %arg7[%mul3A_84] : memref<323584xf32, #tpu.memory_space<hbm>> -> memref<10112xf32, #tpu.memory_space<hbm>>
      %dma_wait3A_86 = tpu.memref_slice %arg7[%mul3A_84] : memref<323584xf32, #tpu.memory_space<hbm>> -> memref<10112xf32, #tpu.memory_space<hbm>>
      tpu.wait_dma2 semaphore(%run_scoped3A : memref<!tpu.dma_semaphore, #tpu.memory_space<semaphore_mem>>) src(%arg18 : memref<10112xf32, #tpu.memory_space<vmem>>) dst(%dma_wait3A_86 : memref<10112xf32, #tpu.memory_space<hbm>>)
      tpu.yield
    }) : () -> ()
    return
  }
}

module attributes {stable_mosaic.version = 14 : i64} {
  func.func @_transform_body(%arg0: i32, %arg1: i32, %arg2: memref<2000x128xf32, #tpu.memory_space<vmem>>, %arg3: memref<1x128x128xf32, #tpu.memory_space<vmem>>, %arg4: memref<1x2000x128xf32, #tpu.memory_space<vmem>>) attributes {dimension_semantics = [#tpu.dimension_semantics<arbitrary>, #tpu.dimension_semantics<arbitrary>], iteration_bounds = array<i64: 16, 5>, scalar_prefetch = 0 : i64, scratch_operands = 0 : i64, tpu.core_type = #tpu.core_type<tc>, window_params = [{transform_indices = @transform_0, window_bounds = array<i64: 2000, 128>}, {transform_indices = @transform_1, window_bounds = array<i64: 1, 128, 128>}, {transform_indices = @transform_2, window_bounds = array<i64: 1, 2000, 128>}]} {
    %get3A = arith.constant 0 : index
    %get3A_0 = arith.constant 0 : index
    %get3A_1 = vector.load %arg2[%get3A, %get3A_0] : memref<2000x128xf32, #tpu.memory_space<vmem>>, vector<2000x128xf32>
    %get3A_2 = arith.constant 0 : index
    %get3A_3 = arith.constant 0 : index
    %get3A_4 = arith.constant 0 : index
    %get3A_5 = vector.load %arg3[%get3A_2, %get3A_3, %get3A_4] : memref<1x128x128xf32, #tpu.memory_space<vmem>>, vector<1x128x128xf32>
    %get3A_6 = vector.shape_cast %get3A_5 : vector<1x128x128xf32> to vector<128x128xf32>
    %dot_general3A = arith.constant dense<0.000000e+00> : vector<2000x128xf32>
    %dot_general3A_7 = tpu.matmul %get3A_1, %get3A_6, %dot_general3A {dimension_numbers = #tpu.dot_dimension_numbers<[1], [0], [0], [1], [0, 0, 1, 1], [], []>, transpose_lhs_hint = false} : vector<2000x128xf32>, vector<128x128xf32>, vector<2000x128xf32> -> vector<2000x128xf32>
    %swap3A = arith.constant 0 : index
    %swap3A_8 = arith.constant 0 : index
    %swap3A_9 = arith.constant 0 : index
    %swap3A_10 = vector.load %arg4[%swap3A, %swap3A_8, %swap3A_9] : memref<1x2000x128xf32, #tpu.memory_space<vmem>>, vector<1x2000x128xf32>
    %swap3A_11 = vector.shape_cast %swap3A_10 : vector<1x2000x128xf32> to vector<2000x128xf32>
    %swap3A_12 = vector.shape_cast %dot_general3A_7 : vector<2000x128xf32> to vector<1x2000x128xf32>
    tpu.vector_store %arg4[%swap3A, %swap3A_8, %swap3A_9], %swap3A_12 {strides = array<i32>} : memref<1x2000x128xf32, #tpu.memory_space<vmem>>, vector<1x2000x128xf32>,
    return
  }
  func.func @transform_0(%arg0: i32, %arg1: i32) -> (i32, i32) {
    %c0_i32 = arith.constant 0 : i32
    %c0_i32_0 = arith.constant 0 : i32
    return %arg1, %c0_i32 : i32, i32
  }
  func.func @transform_1(%arg0: i32, %arg1: i32) -> (i32, i32, i32) {
    %c0_i32 = arith.constant 0 : i32
    %c0_i32_0 = arith.constant 0 : i32
    %c0_i32_1 = arith.constant 0 : i32
    return %arg0, %c0_i32, %c0_i32_0 : i32, i32, i32
  }
  func.func @transform_2(%arg0: i32, %arg1: i32) -> (i32, i32, i32) {
    %c0_i32 = arith.constant 0 : i32
    %c0_i32_0 = arith.constant 0 : i32
    return %arg0, %arg1, %c0_i32 : i32, i32, i32
  }
}

module attributes {stable_mosaic.version = 14 : i64} {
  func.func @_final_body(%arg0: i32, %arg1: memref<10112x128xf32, #tpu.memory_space<vmem>>, %arg2: memref<10112x128xf32, #tpu.memory_space<vmem>>, %arg3: memref<32x10112xf32, #tpu.memory_space<vmem>>, %arg4: memref<10112x128xf32, #tpu.memory_space<vmem>>, %arg5: memref<128x128xf32, #tpu.memory_space<vmem>>, %arg6: memref<1x128xf32, #tpu.memory_space<vmem>>, %arg7: memref<10112x128xf32, #tpu.memory_space<vmem>>) attributes {dimension_semantics = [#tpu.dimension_semantics<arbitrary>], iteration_bounds = array<i64: 1>, scalar_prefetch = 0 : i64, scratch_operands = 0 : i64, tpu.core_type = #tpu.core_type<tc>, window_params = [{transform_indices = @transform_0, window_bounds = array<i64: 10112, 128>}, {transform_indices = @transform_1, window_bounds = array<i64: 10112, 128>}, {transform_indices = @transform_2, window_bounds = array<i64: 32, 10112>}, {transform_indices = @transform_3, window_bounds = array<i64: 10112, 128>}, {pipeline_mode = #tpu.pipeline_mode<synchronous>, transform_indices = @transform_4, window_bounds = array<i64: 128, 128>}, {pipeline_mode = #tpu.pipeline_mode<synchronous>, transform_indices = @transform_5, window_bounds = array<i64: 1, 128>}, {transform_indices = @transform_6, window_bounds = array<i64: 10112, 128>}]} {
    %broadcast_in_dim3A = arith.constant 1.000000e+00 : f32
    %broadcast_in_dim3A_0 = vector.broadcast %broadcast_in_dim3A : f32 to vector<32x1xf32>
    %get3A = arith.constant 0 : index
    %get3A_1 = arith.constant 0 : index
    %get3A_2 = vector.load %arg3[%get3A, %get3A_1] : memref<32x10112xf32, #tpu.memory_space<vmem>>, vector<32x10112xf32>
    %dot_general3A = arith.constant dense<0.000000e+00> : vector<10112x1xf32>
    %dot_general3A_3 = tpu.matmul %get3A_2, %broadcast_in_dim3A_0, %dot_general3A {dimension_numbers = #tpu.dot_dimension_numbers<[0], [0], [1], [1], [0, 1, 1, 1], [], []>, transpose_lhs_hint = false} : vector<32x10112xf32>, vector<32x1xf32>, vector<10112x1xf32> -> vector<10112x1xf32>
    %max3A = arith.constant 1.000000e+00 : f32
    %max3A_4 = vector.broadcast %max3A : f32 to vector<10112x1xf32>
    %max3A_5 = arith.maximumf %dot_general3A_3, %max3A_4 : vector<10112x1xf32>
    %get3A_6 = arith.constant 0 : index
    %get3A_7 = arith.constant 0 : index
    %get3A_8 = vector.load %arg1[%get3A_6, %get3A_7] : memref<10112x128xf32, #tpu.memory_space<vmem>>, vector<10112x128xf32>
    %get3A_9 = arith.constant 0 : index
    %get3A_10 = arith.constant 0 : index
    %get3A_11 = vector.load %arg2[%get3A_9, %get3A_10] : memref<10112x128xf32, #tpu.memory_space<vmem>>, vector<10112x128xf32>
    %add3A = arith.addf %get3A_8, %get3A_11 : vector<10112x128xf32>
    %div3A = vector.broadcast %max3A_5 : vector<10112x1xf32> to vector<10112x128xf32>
    %div3A_12 = arith.divf %add3A, %div3A : vector<10112x128xf32>
    %get3A_13 = arith.constant 0 : index
    %get3A_14 = arith.constant 0 : index
    %get3A_15 = vector.load %arg4[%get3A_13, %get3A_14] : memref<10112x128xf32, #tpu.memory_space<vmem>>, vector<10112x128xf32>
    %get3A_16 = arith.constant 0 : index
    %get3A_17 = arith.constant 0 : index
    %get3A_18 = vector.load %arg5[%get3A_16, %get3A_17] : memref<128x128xf32, #tpu.memory_space<vmem>>, vector<128x128xf32>
    %dot_general3A_19 = arith.constant dense<0.000000e+00> : vector<10112x128xf32>
    %dot_general3A_20 = tpu.matmul %get3A_15, %get3A_18, %dot_general3A_19 {dimension_numbers = #tpu.dot_dimension_numbers<[1], [0], [0], [1], [0, 0, 1, 1], [], []>, transpose_lhs_hint = false} : vector<10112x128xf32>, vector<128x128xf32>, vector<10112x128xf32> -> vector<10112x128xf32>
    %get3A_21 = arith.constant 0 : index
    %get3A_22 = arith.constant 0 : index
    %get3A_23 = vector.load %arg6[%get3A_21, %get3A_22] : memref<1x128xf32, #tpu.memory_space<vmem>>, vector<1x128xf32>
    %add3A_24 = vector.broadcast %get3A_23 : vector<1x128xf32> to vector<10112x128xf32>
    %add3A_25 = arith.addf %dot_general3A_20, %add3A_24 : vector<10112x128xf32>
    %add3A_26 = arith.addf %div3A_12, %add3A_25 : vector<10112x128xf32>
    %tanh3A = math.tanh %add3A_26 : vector<10112x128xf32>
    %swap3A = arith.constant 0 : index
    %swap3A_27 = arith.constant 0 : index
    %swap3A_28 = vector.load %arg7[%swap3A, %swap3A_27] : memref<10112x128xf32, #tpu.memory_space<vmem>>, vector<10112x128xf32>
    tpu.vector_store %arg7[%swap3A, %swap3A_27], %tanh3A {strides = array<i32>} : memref<10112x128xf32, #tpu.memory_space<vmem>>, vector<10112x128xf32>,
    return
  }
  func.func @transform_0(%arg0: i32) -> (i32, i32) {
    %c0_i32 = arith.constant 0 : i32
    %c0_i32_0 = arith.constant 0 : i32
    return %arg0, %c0_i32 : i32, i32
  }
  func.func @transform_1(%arg0: i32) -> (i32, i32) {
    %add3A = arith.constant 1 : i32
    %add3A_0 = arith.addi %arg0, %add3A : i32
    %c0_i32 = arith.constant 0 : i32
    %c0_i32_1 = arith.constant 0 : i32
    return %add3A_0, %c0_i32 : i32, i32
  }
  func.func @transform_2(%arg0: i32) -> (i32, i32) {
    %c0_i32 = arith.constant 0 : i32
    %c0_i32_0 = arith.constant 0 : i32
    return %c0_i32, %arg0 : i32, i32
  }
  func.func @transform_3(%arg0: i32) -> (i32, i32) {
    %c0_i32 = arith.constant 0 : i32
    %c0_i32_0 = arith.constant 0 : i32
    return %arg0, %c0_i32 : i32, i32
  }
  func.func @transform_4(%arg0: i32) -> (i32, i32) {
    %c0_i32 = arith.constant 0 : i32
    %c0_i32_0 = arith.constant 0 : i32
    %c0_i32_1 = arith.constant 0 : i32
    return %c0_i32, %c0_i32_0 : i32, i32
  }
  func.func @transform_5(%arg0: i32) -> (i32, i32) {
    %c0_i32 = arith.constant 0 : i32
    %c0_i32_0 = arith.constant 0 : i32
    %c0_i32_1 = arith.constant 0 : i32
    return %c0_i32, %c0_i32_0 : i32, i32
  }
  func.func @transform_6(%arg0: i32) -> (i32, i32) {
    %c0_i32 = arith.constant 0 : i32
    %c0_i32_0 = arith.constant 0 : i32
    return %arg0, %c0_i32 : i32, i32
  }
}

</mosaic_0001>

<sc_bundles>
// kernel: kernel.5.cloned.1.call-start
scs
__scs_entry_jumppad:
0x0: {  	(pc) =	sbr.rel $0x88, $3  }
0x1: {  	(tag) =	ssettag $0x0;
	lr =	simm.s32 $0x1  }
0x2: {  	[smem:$0x3F9B] =	sst lr;
	_ =	strace $0xD0000000  }
0x3: {  	_ = 	snop  }
0x4: {  	_ = 	snop  }
0x5: {  	_ = 	snop  }
0x6: {  	_ = 	snop  }
0x7: {  	_ = 	snop  }
__scs_overlays_trampoline_lowered:
0x8: {  	[smem:$0x3FAA] =	sst s0  }
0x9: {  	[smem:$0x3FAB] =	sst s1  }
0xa: {  	[smem:$0x3FAC] =	sst s2  }
0xb: {  	[smem:$0x3FAD] =	sst s3  }
0xc: {  	[smem:$0x3FAE] =	sst s4  }
0xd: {  	[smem:$0x3FAF] =	sst s5  }
0xe: {  	[smem:$0x3FB0] =	sst s6  }
0xf: {  	[smem:$0x3FB1] =	sst s7  }
0x10: {  	[smem:$0x3FB2] =	sst s8  }
0x11: {  	[smem:$0x3FB3] =	sst s9;
	s0 =	simm.s32 @!p0 $0x0  }
0x12: {  	s1 =	sld [smem:$0x3F99];
	s0 =	simm.s32 @p0 $0x1  }
0x13: {  	[smem:$0x3FB4] =	sst s0;
	s0 =	simm.s32 @!p1 $0x0  }
0x14: {  	s2 =	sld [smem:$0x3F98];
	s0 =	simm.s32 @p1 $0x1  }
0x15: {  	[smem:$0x3FB5] =	sst s0;
	s0 =	simm.s32 @!p2 $0x0  }
0x16: {  	s3 =	sld [smem:$0x3FDB];
	s0 =	simm.s32 @p2 $0x1  }
0x17: {  	s4 =	simm.s32 $0x1BF5;
	[smem:$0x3FB7] =	sst s0  }
0x18: {  	s0 =	sld [smem:$0x3F9A];
	_ =	swait.ge [sflag:s4], $0x0  }
0x19: {  	s7 =	sld [smem:$0x3F9B]  }
0x1a: {  	s8 =	sadd.s32 $0xFFFFE003, lr  }
0x1b: {  	s9 =	sadd.s32 $0xFFFFFEF7, lr;
	s5 =	simm.s32 $0xFFFFFFFF;
	p2 =	slt.u32 s8, $0xFFFFF086  }
0x1c: {  	p1 =	slt.u32 s9, $0xF7A;
	s5 =	simm.s32 @!p2 $0x0  }
0x1d: {  	s5 =	simm.s32 @p1 $0x1;
	p0 =	seq.s32 s7, s2  }
0x1e: {  	s7 =	smul.u32 @!p0 $0xF7A, s2;
	p2 =	seq.s32 @!p0 s5, $0x0  }
0x1f: {  	s9 =	smul.u32 $0xF7A, s1;
	s8 =	simm.s32 @!p0 $0x1BF5;
	p2 =	por !p2, p0  }
0x20: {  	[sflag:s8] =	ssyncset.s32 @!p0 $0xFFFFF086;
	s6 =	sadd.s32 @!p0 s3, s7;
	s7 =	simm.s32 @!p0 $0x108  }
0x21: {  	s3 =	sadd.s32 s3, s9;
	s6 =	sadd.s32 @!p0 $0x88, s6;
	s7 =	simm.s32 @p2 $0x1082  }
0x22: {  	[simem:s7], [sflag:s8] =	dma.local @!p0 [hbm:s6], $0xF7A  }
0x23: {  	s9 =	sor.u32 $0xD0000000, s2;
	s6 =	simm.s32 $0x108;
	_ =	swait.ge @!p0 [sflag:s8], $0x0  }
0x24: {  	s3 =	sadd.s32 $0x88, s3;
	s6 =	simm.s32 @!p1 $0x1082;
	[sflag:s4] =	ssyncset.s32 $0xFFFFF086  }
0x25: {  	[simem:s6], [sflag:s4] =	dma.local [hbm:s3], $0xF7A  }
0x26: {  	[smem:$0x3F9B] =	sst s1;
	(tag) =	ssettag s2;
	_ =	strace s9  }
0x27: {  	s1 =	sld [smem:$0x3FAB]  }
0x28: {  	s2 =	sld [smem:$0x3FAC]  }
0x29: {  	s4 =	sld [smem:$0x3FAE]  }
0x2a: {  	p0 =	seq.s32 s5, $0x0;
	s5 =	sld [smem:$0x3FAF]  }
0x2b: {  	s6 =	sld [smem:$0x3FB0]  }
0x2c: {  	s7 =	sld [smem:$0x3FB1]  }
0x2d: {  	s3 =	simm.s32 $0x108;
	s8 =	sld [smem:$0x3FB2]  }
0x2e: {  	s3 =	simm.s32 @!p0 $0x1082;
	s9 =	sld [smem:$0x3FB3]  }
0x2f: {  	lr =	sadd.s32 s0, s3;
	s0 =	sld [smem:$0x3FAA]  }
0x30: {  	s3 =	sld [smem:$0x3FAD]  }
0x31: {  	[smem:$0x3FB6] =	sst s10  }
0x32: {  	s10 =	sld [smem:$0x3FB4];
	_ =	sdelay $0x3  }
0x33: {  	p0 =	seq.s32 s10, $0x1;
	s10 =	sld [smem:$0x3FB6];
	_ =	sdelay $0x3  }
0x34: {  	[smem:$0x3FB6] =	sst s10  }
0x35: {  	s10 =	sld [smem:$0x3FB5];
	_ =	sdelay $0x3  }
0x36: {  	p1 =	seq.s32 s10, $0x1;
	s10 =	sld [smem:$0x3FB6];
	_ =	sdelay $0x3  }
0x37: {  	[smem:$0x3FB6] =	sst s10  }
0x38: {  	s10 =	sld [smem:$0x3FB7]  }
0x39: {  	_ = 	snop;
	(pc) =	sbr.ind lr, $3  }
0x3a: {  	_ = 	snop  }
0x3b: {  	_ = 	snop  }
0x3c: {  	p2 =	seq.s32 s10, $0x1;
	s10 =	sld [smem:$0x3FB6]  }
0x3d: {  	_ =	shalt  }
0x3e: {  	_ =	shalt  }
0x3f: {  	_ =	shalt  }
0x40: {  	_ =	shalt  }
0x41: {  	_ =	shalt  }
0x42: {  	_ =	shalt  }
0x43: {  	_ =	shalt  }
0x44: {  	_ =	shalt  }
0x45: {  	_ =	shalt  }
0x46: {  	_ =	shalt  }
0x47: {  	_ =	shalt  }
0x48: {  	_ =	shalt  }
0x49: {  	_ =	shalt  }
0x4a: {  	_ =	shalt  }
0x4b: {  	_ =	shalt  }
0x4c: {  	_ =	shalt  }
0x4d: {  	_ =	shalt  }
0x4e: {  	_ =	shalt  }
0x4f: {  	_ =	shalt  }
0x50: {  	_ =	shalt  }
0x51: {  	_ =	shalt  }
0x52: {  	_ =	shalt  }
0x53: {  	_ =	shalt  }
0x54: {  	_ =	shalt  }
0x55: {  	_ =	shalt  }
0x56: {  	_ =	shalt  }
0x57: {  	_ =	shalt  }
0x58: {  	_ =	shalt  }
0x59: {  	_ =	shalt  }
0x5a: {  	_ =	shalt  }
0x5b: {  	_ =	shalt  }
0x5c: {  	_ =	shalt  }
0x5d: {  	_ =	shalt  }
0x5e: {  	_ =	shalt  }
0x5f: {  	_ =	shalt  }
0x60: {  	_ =	shalt  }
0x61: {  	_ =	shalt  }
0x62: {  	_ =	shalt  }
0x63: {  	_ =	shalt  }
0x64: {  	_ =	shalt  }
0x65: {  	_ =	shalt  }
0x66: {  	_ =	shalt  }
0x67: {  	_ =	shalt  }
0x68: {  	_ =	shalt  }
0x69: {  	_ =	shalt  }
0x6a: {  	_ =	shalt  }
0x6b: {  	_ =	shalt  }
0x6c: {  	_ =	shalt  }
0x6d: {  	_ =	shalt  }
0x6e: {  	_ =	shalt  }
0x6f: {  	_ =	shalt  }
0x70: {  	_ =	shalt  }
0x71: {  	_ =	shalt  }
0x72: {  	_ =	shalt  }
0x73: {  	_ =	shalt  }
0x74: {  	_ =	shalt  }
0x75: {  	_ =	shalt  }
0x76: {  	_ =	shalt  }
0x77: {  	_ =	shalt  }
0x78: {  	_ =	shalt  }
0x79: {  	_ =	shalt  }
0x7a: {  	_ =	shalt  }
0x7b: {  	_ =	shalt  }
0x7c: {  	_ =	shalt  }
0x7d: {  	_ =	shalt  }
0x7e: {  	_ =	shalt  }
0x7f: {  	_ =	shalt  }
0x80: {  	_ =	shalt  }
0x81: {  	_ =	shalt  }
0x82: {  	_ =	shalt  }
0x83: {  	_ =	shalt  }
0x84: {  	_ =	shalt  }
0x85: {  	_ =	shalt  }
0x86: {  	_ =	shalt  }
0x87: {  	_ =	shalt  }
.Lfunc_end0:
.L_simem_size_0:
called_computation_lowered:
.L_overlay_start_0:
0x88: {  	s2 =	sld [smem:$0x3FD9]  }
0x89: {  	s3 =	sld [smem:$0x3FFE];
	_ =	sdelay $0x1  }
0x8a: {  	s1 =	srdreg.scid  }
0x8b: {  	s0 =	sand.u32 $0x1, s1  }
0x8c: {  	s17 =	sshll.u32 s0, $0xA;
	s2 =	sadd.s32 s3, s2  }
0x8d: {  	s2 =	sadd.s32 s2, s17  }
0x8e: {  	[smem:$0x3FC2] =	sst s2  }
0x8f: {  	_ = 	snop  }
0x90: {  	s2 =	sld [smem:$0x3FD0];
	(tm) =	ssettm $0x1  }
0x91: {  	s18 =	sld [smem:$0x3FFB];
	_ =	sdelay $0x3  }
0x92: {  	_ =	strace s18  }
0x93: {  	s3 =	sld [smem:$0x3FFC];
	_ =	sdelay $0x3  }
0x94: {  	_ =	strace s3  }
0x95: {  	s3 =	sld [smem:$0x3FFD];
	_ =	sdelay $0x3  }
0x96: {  	_ =	strace s3  }
0x97: {  	_ =	strace $0x8FFFFFFF  }
0x98: {  	s19 =	sld [smem:$0x3FDB];
	_ =	sdelay $0x1  }
0x99: {  	s4 =	simm.s32 $_scs_section_size  }
0x9a: {  	s5 =	simm.s32 $_size__tile_overlayer_lowered;
	s6 =	simm.s32 $_tile_overlayer_lowered  }
0x9b: {  	s22 =	simm.s32 $0x1BFF;
	s21 =	sshll.u32 s6, $0x1;
	s3 =	sadd.s32 s4, s19  }
0x9c: {  	s7 =	simm.s32 $0x0;
	s20 =	sshll.u32 s5, $0x1;
	s5 =	sadd.s32 s21, s3  }
0x9d: {  	[timem:s7], [sflag:s22] =	dma.local [hbm:s5], s20  }
0x9e: {  	_ =	swait.ge [sflag:s22], s20  }
0x9f: {  	s4 =	ssub.s32 $0x0, s20;
	[sflag:s22] =	ssyncset.done $0x0  }
0xa0: {  	[sflag:s22] =	ssyncadd.s32 s4;
	_ =	sdelay $0x1  }
0xa1: {  	s23 =	simm.s32 $0x1B8B  }
0xa2: {  	_ =	swait.ge [sflag:s23], $0x1  }
0xa3: {  	[sflag:s23] =	ssyncset.done $0x0  }
0xa4: {  	s25 =	simm.s32 $0x1B8E;
	s24 =	sld [smem:$0x3FFE];
	[sflag:s23] =	ssyncadd.s32 $0xFFFFFFFF  }
0xa5: {  	s26 =	simm.s32 $execute0_lowered;
	[smem:$0x3FD2] =	sst s25  }
0xa6: {  	s5 =	sshll.u32 s26, $0x1;
	_ =	strace $0x80000046;
	[dreg:$0x1] =	wrdreg $0xFFFFFFFF  }
0xa7: {  	s28 =	simm.s32 $_size_execute0_lowered;
	s3 =	sadd.s32 s3, s5;
	[dreg:$0x0] =	wrdreg $0x0  }
0xa8: {  	s5 =	sshll.u32 s28, $0x1;
	[dreg:$0x2] =	wrdreg s3  }
0xa9: {  	[dreg:$0x3] =	wrdreg s5  }
0xaa: {  	[dreg:$0x4] =	wrdreg $0xC0  }
0xab: {  	_ =	task [dreg:s7], $0x5FFFF  }
0xac: {  	[dreg:$0x1] =	wrdreg $0xFFFFFFFF  }
0xad: {  	[dreg:$0x0] =	wrdreg $0x60  }
0xae: {  	[dreg:$0x2] =	wrdreg s24  }
0xaf: {  	[dreg:$0x3] =	wrdreg s2  }
0xb0: {  	[dreg:$0x4] =	wrdreg $0xAB800  }
0xb1: {  	[dreg:$0x5] =	wrdreg $0x9  }
0xb2: {  	_ =	task.clear_ibuf [dreg:s7], $0x6FFFF;
	_ =	strace $0x90000046  }
0xb3: {  	s29 =	simm.s32 $0x9;
	_ =	strace $0x80000048  }
0xb4: {  	_ =	swait.ge [sflag:s29], $0x1  }
0xb5: {  	[sflag:s29] =	ssyncadd.s32 $0xFFFFFFFF  }
0xb6: {  	_ =	strace $0x90000048  }
0xb7: {  	_ =	sfence  }
0xb8: {  	s30 =	sld [smem:$0x0];
	_ =	sdelay $0x2  }
0xb9: {  	s31 =	sshll.u32 s1, $0xD;
	s1 =	sshrl.u32 s1, $0x2  }
0xba: {  	s3 =	sand.u32 $0x4000, s31;
	s1 =	sadd.s32 s1, s30  }
0xbb: {  	s0 =	sor.u32 s3, s0;
	s1 =	sshll.u32 s1, $0x11  }
0xbc: {  	s0 =	sor.u32 s1, s0  }
0xbd: {  	s0 =	sadd.s32 $0x8F2B, s0  }
0xbe: {  	[sflag:s0] =	ssyncadd.remote.s32 $0x1  }
0xbf: {  	_ =	sfence.sel $0xFFFF  }
0xc0: {  	[dreg:$0x0] =	wrdreg $0xFFFFFFFF;
	(pc) =	sbr.abs _section_cstart, $3  }
0xc1: {  	[dreg:$0x1] =	wrdreg $0xFFFFFFFF  }
0xc2: {  	_ =	task.clear_ibuf [dreg:s7], $0x2FFFF;
	_ =	strace $0x9FFFFFFF  }
0xc3: {  	(tm) =	ssettm $0x7FFFFFFF  }
tec
execute0_lowered:
.L_overlay_start_1:
0x0: {  	(tag) =	ssettag $0x1  }
0x1: {  	s0 =	rddreg [dreg:$0x0]  }
0x2: {  	s1 =	rddreg [dreg:$0x1]  }
0x3: {  	s3 =	rddreg [dreg:$0x2];
	s2 =	srdreg.scid  }
0x4: {  	s4 =	simm.s32 $0x0;
	s13 =	stileid.u32;
	s28 =	simm.s32 $0x100  }
0x5: {  	s29 =	simm.s32 $0x40;
	s30 =	simm.s32 $0x180;
	s31 =	simm.s32 $0x1C0  }
0x6: {  	s2 =	sand.u32 $0x1, s2;
	[smem:$0x7FF] =	sst s4;
	s8 =	smul.u32 $0x2780, s13  }
0x7: {  	s6 =	sadd.s32 $0x1000, s0;
	s12 =	smul.u32 $0x4F000, s13;
	s5 =	sshll.u32 s2, $0x4  }
0x8: {  	_ =	strace $0x80000047;
	s9 =	smul.u32 $0x27800, s2;
	s14 =	ssub.s32 $0x2, s2  }
0x9: {  	p0 =	seq.s32 s2, $0x0;
	s7 =	sor.u32 s13, s5;
	s5 =	sadd.s32 $0x15000, s0  }
0xa: {  	s11 =	sshrl.u32 s14, $0x1;
	s10 =	smul.u32 $0x4F0, s7;
	s7 =	sadd.s32 $0xB000, s0  }
0xb: {  	s8 =	sadd.s32 s8, s9;
	s9 =	sshrl.u32 s12, $0x2;
	s12 =	smul.u32 $0x1800, s13  }
0xc: {  	s8 =	sadd.s32 s8, s0;
	s22 =	sadd.s32 s9, s3;
	s9 =	smul.u32 $0x3800, s13  }
0xd: {  	s13 =	simm.s32 $0x70;
	s0 =	sadd.s32 s10, s0;
	s10 =	ssub.s32 s14, s11  }
0xe: {  	s15 =	sadd.s32 $0x4000, s22;
	s2 =	sadd.s32 $0x38000, s12;
	s16 =	sadd.s32 $0x8000, s22  }
0xf: {  	s17 =	sadd.s32 $0xC000, s22;
	s18 =	sadd.s32 $0x10000, s22;
	[dreg:$0x4] =	wrdreg s22  }
0x10: {  	s13 =	simm.s32 @!p0 $0x30;
	s8 =	sadd.s32 $0x28FE00, s8;
	[dreg:$0x5] =	wrdreg s15  }
0x11: {  	s11 =	simm.s32 $0x380;
	s12 =	simm.s32 $0x4400;
	[dreg:$0x6] =	wrdreg s16  }
0x12: {  	s14 =	simm.s32 $0x3C0;
	[dreg:$0x7] =	wrdreg s17;
	s2 =	smov.u32 @p0 s9  }
0x13: {  	[dreg:$0x8] =	wrdreg s18;
	s23 =	sshrl.u32 s13, $0x1;
	s18 =	sadd.s32 $0xFFFFFFFF, s13  }
0x14: {  	[dreg:$0xd] =	wrdreg s8;
	s0 =	sadd.s32 $0x286000, s0;
	s24 =	smax.u32 s10, $0x1  }
0x15: {  	s9 =	simm.s32 $0x280;
	s10 =	simm.s32 $0x300;
	[dreg:$0xc] =	wrdreg s23  }
0x16: {  	s15 =	simm.s32 $0x6400;
	s2 =	sshrl.u32 s2, $0x3;
	[dreg:$0xe] =	wrdreg s0  }
0x17: {  	s16 =	simm.s32 $0x1;
	[dreg:$0xf] =	wrdreg s24;
	s19 =	sadd.s32 s1, s2  }
0x18: {  	s17 =	simm.s32 $0x0;
	s20 =	sadd.s32 s6, s2;
	[dreg:$0x9] =	wrdreg s19  }
.Ltmp0:
0x19: {  	s21 =	sadd.s32 s7, s2;
	[dreg:$0xa] =	wrdreg s20;
	(pc) =	sbr.rel .LBB2_1-.Ltmp0, $4  }
0x1a: {  	s24 =	simm.s32 $0x400;
	s25 =	sor.u32 $0x10, s2;
	[dreg:$0xb] =	wrdreg s21  }
0x1b: {  	s0 =	simm.s32 $0x2400;
	s26 =	sor.u32 $0x20, s2;
	[dreg:$0x10] =	wrdreg s25  }
0x1c: {  	s2 =	simm.s32 $0x200;
	[dreg:$0x11] =	wrdreg s26;
	s25 =	simm.s32 $0x3  }
0x1d: {  	v0 =	vimm.f32 $0.0e+00;
	v1 =	vimm.f32 $1.000000000e+00;
	s26 =	simm.s32 $0x80;
	s19 =	simm.s32 $0x8400;
	s20 =	simm.s32 $0x2  }
.LBB2_11:
0x1e: {  	s8 =	stileid.u32;
	[bflag:$0x0] =	sbarrier.arrive $0xFFFF  }
0x1f: {  	s8 =	sshll.u32 s8, $0x6;
	s22 =	rddreg [dreg:$0x4]  }
0x20: {  	s21 =	rddreg [dreg:$0xd];
	s8 =	sor.u32 $0x1C03, s8;
	s17 =	sshrl.u32 s22, $0x3  }
0x21: {  	[hbm:s21], [sflag:s8] =	dma.local [spmem:s17], $0x2780  }
0x22: {  	_ =	swait.ge [sflag:s25], $0x2780  }
0x23: {  	[sflag:s25] =	ssyncset.done $0x0  }
0x24: {  	s17 =	rddreg [dreg:$0xe];
	[sflag:s25] =	ssyncadd.s32 $0xFFFFD880  }
0x25: {  	[hbm4b:s17+s4] =	stream.linear.scatter [tilespmem:s19], [sflag:$0x3], $0x2780, $0x38;
	[tilespmem:$0x1E780] =	vst v63  }
0x26: {  	_ =	swait.ge [sflag:s25], $0x2780  }
0x27: {  	s21 =	rddreg [dreg:$0x12]  }
0x28: {  	s23 =	rddreg [dreg:$0xf];
	s17 =	sadd.s32 $0x1, s21  }
0x29: {  	p0 =	sne.s32 s17, s23  }
.Ltmp1:
0x2a: {  	_ = 	snop;
	(pc) =	sbr.rel @!p0 .LBB2_12-.Ltmp1, $3  }
0x2b: {  	_ =	sdelay $0x1  }
0x2c: {  	[sflag:s25] =	ssyncset.done $0x0  }
0x2d: {  	[sflag:s25] =	ssyncadd.s32 $0xFFFFD880  }
.LBB2_1:
0x2e: {  	s8 =	simm.s32 $0x0;
	s21 =	simm.s32 $0x200  }
.LBB2_2:
0x2f: {  	p0 =	sne.s32 s21, $0xFE00;
	[tilespmem:s8+$0x470] =	vst v0  }
0x30: {  	[tilespmem:s8+$0x400] =	vst v0  }
0x31: {  	[tilespmem:s8+$0x410] =	vst v0  }
.Ltmp2:
0x32: {  	[tilespmem:s8+$0x420] =	vst v0;
	(pc) =	sbr.rel @p0 .LBB2_2-.Ltmp2, $4  }
0x33: {  	[tilespmem:s8+$0x430] =	vst v0  }
0x34: {  	[tilespmem:s8+$0x440] =	vst v0  }
0x35: {  	[tilespmem:s8+$0x450] =	vst v0  }
0x36: {  	[tilespmem:s8+$0x460] =	vst v0;
	s8 =	sshra.s32 s21, $0x2;
	s21 =	sadd.s32 $0x200, s21  }
0x37: {  	[tilespmem:s8+$0x470] =	vst v0  }
0x38: {  	[tilespmem:s8+$0x400] =	vst v0  }
0x39: {  	[tilespmem:s8+$0x410] =	vst v0  }
0x3a: {  	[tilespmem:s8+$0x420] =	vst v0  }
0x3b: {  	[tilespmem:s8+$0x430] =	vst v0  }
0x3c: {  	[tilespmem:s8+$0x440] =	vst v0  }
0x3d: {  	[tilespmem:s8+$0x450] =	vst v0  }
0x3e: {  	[tilespmem:s8+$0x460] =	vst v0;
	s8 =	simm.s32 $0x40;
	s21 =	simm.s32 $0x0  }
.LBB2_4:
0x3f: {  	p0 =	sne.s32 s8, $0x9DC0;
	[tilespmem:s21+$0x8400] =	vst v0;
	s21 =	smov.u32 s8;
	s8 =	sadd.s32 $0x40, s8  }
.Ltmp3:
0x40: {  	(pc) =	sbr.rel @p0 .LBB2_4-.Ltmp3, $2  }
0x41: {  	_ =	sdelay $0x2  }
0x42: {  	s21 =	sshra.s32 s21, $0x2  }
0x43: {  	[dreg:$0x12] =	wrdreg s17;
	[tilespmem:s21+$0x8400] =	vst v0  }
0x44: {  	[spmem:s22] =	stream.linear.scatter [tilespmem:s24], [sflag:$0x3], $0x4000, $0x38;
	[tilespmem:$0x1E780] =	vst v63  }
0x45: {  	_ =	swait.ge [sflag:s25], $0x4000  }
0x46: {  	[sflag:s25] =	ssyncset.done $0x0  }
0x47: {  	s8 =	rddreg [dreg:$0x5];
	[sflag:s25] =	ssyncadd.s32 $0xFFFFC000  }
0x48: {  	[spmem:s8] =	stream.linear.scatter [tilespmem:s24], [sflag:$0x3], $0x4000, $0x38;
	[tilespmem:$0x1E780] =	vst v63  }
0x49: {  	_ =	swait.ge [sflag:s25], $0x4000  }
0x4a: {  	[sflag:s25] =	ssyncset.done $0x0  }
0x4b: {  	s21 =	rddreg [dreg:$0x6];
	[sflag:s25] =	ssyncadd.s32 $0xFFFFC000  }
0x4c: {  	[spmem:s21] =	stream.linear.scatter [tilespmem:s24], [sflag:$0x3], $0x4000, $0x38;
	[tilespmem:$0x1E780] =	vst v63  }
0x4d: {  	_ =	swait.ge [sflag:s25], $0x4000  }
0x4e: {  	[sflag:s25] =	ssyncset.done $0x0  }
0x4f: {  	s22 =	rddreg [dreg:$0x7];
	[sflag:s25] =	ssyncadd.s32 $0xFFFFC000  }
0x50: {  	[spmem:s22] =	stream.linear.scatter [tilespmem:s24], [sflag:$0x3], $0x4000, $0x38;
	[tilespmem:$0x1E780] =	vst v63  }
0x51: {  	_ =	swait.ge [sflag:s25], $0x4000  }
0x52: {  	[sflag:s25] =	ssyncset.done $0x0  }
0x53: {  	s23 =	rddreg [dreg:$0x8];
	[sflag:s25] =	ssyncadd.s32 $0xFFFFC000  }
0x54: {  	[spmem:s23] =	stream.linear.scatter [tilespmem:s24], [sflag:$0x3], $0x3C00, $0x38;
	[tilespmem:$0x1E780] =	vst v63  }
0x55: {  	_ =	swait.ge [sflag:s25], $0x3C00  }
0x56: {  	[sflag:s25] =	ssyncset.done $0x0  }
0x57: {  	[sflag:s25] =	ssyncadd.s32 $0xFFFFC400  }
0x58: {  	[bflag:$0x0] =	sbarrier.arrive $0xFFFF  }
0x59: {  	s21 =	simm.s32 $0x0;
	s17 =	rddreg [dreg:$0x9]  }
0x5a: {  	[tilespmem:s21], [sflag:$0x3] =	stream.linear.gather [hbm4b:s17+s21], $0x80, $0x38;
	[tilespmem:$0x1E780] =	vst v63  }
0x5b: {  	_ =	swait.ge [sflag:s25], $0x80  }
0x5c: {  	[sflag:s25] =	ssyncset.done $0x0  }
0x5d: {  	s22 =	rddreg [dreg:$0xa];
	[sflag:s25] =	ssyncadd.s32 $0xFFFFFF80  }
0x5e: {  	[tilespmem:s26], [sflag:$0x3] =	stream.linear.gather [hbm4b:s22+s21], $0x80, $0x38;
	[tilespmem:$0x1E780] =	vst v63  }
0x5f: {  	_ =	swait.ge [sflag:s25], $0x80  }
0x60: {  	[sflag:s25] =	ssyncset.done $0x0  }
0x61: {  	s23 =	rddreg [dreg:$0xb];
	[sflag:s25] =	ssyncadd.s32 $0xFFFFFF80  }
0x62: {  	[tilespmem:s28], [sflag:$0x3] =	stream.linear.gather [hbm4b:s23+s21], $0x80, $0x38;
	[tilespmem:$0x1E780] =	vst v63  }
0x63: {  	_ =	swait.ge [sflag:s25], $0x80  }
0x64: {  	[sflag:s25] =	ssyncset.done $0x0  }
0x65: {  	[sflag:s25] =	ssyncadd.s32 $0xFFFFFF80  }
0x66: {  	v2 =	vld [tilespmem:$0x0]  }
0x67: {  	v3 =	vld [tilespmem:$0x80]  }
0x68: {  	v4 =	vld [tilespmem:$0x10]  }
0x69: {  	v5 =	vld [tilespmem:$0x90]  }
0x6a: {  	v6 =	vld [tilespmem:$0x20]  }
0x6b: {  	v7 =	vld [tilespmem:$0xA0]  }
0x6c: {  	v8 =	vld [tilespmem:$0x30]  }
0x6d: {  	v9 =	vld [tilespmem:$0xB0]  }
0x6e: {  	v10 =	vld [tilespmem:$0x40]  }
0x6f: {  	v11 =	vld [tilespmem:$0xC0]  }
0x70: {  	v12 =	vld [tilespmem:$0x50]  }
0x71: {  	v13 =	vld [tilespmem:$0xD0];
	v3 =	vmul.u32 $0x2710, v3  }
0x72: {  	v14 =	vld [tilespmem:$0xE0];
	v5 =	vmul.u32 $0x2710, v5  }
0x73: {  	v58 =	vld [tilespmem:$0xF0];
	v2 =	vadd.s32 v2, v3;
	v3 =	vmul.u32 $0x2710, v7  }
0x74: {  	v60 =	vld [tilespmem:$0x60];
	v59 =	vmul.u32 $0x2710, v9;
	[tilespmem:$0x180] =	vst v2;
	v2 =	vadd.s32 v4, v5  }
0x75: {  	v61 =	vld [tilespmem:$0x70];
	[tilespmem:$0x190] =	vst v2;
	v2 =	vadd.s32 v6, v3;
	v3 =	vmul.u32 $0x2710, v11  }
0x76: {  	v62 =	vmul.u32 $0x2710, v13;
	[tilespmem:$0x1A0] =	vst v2;
	v2 =	vadd.s32 v8, v59  }
0x77: {  	[tilespmem:$0x1B0] =	vst v2;
	v2 =	vadd.s32 v10, v3;
	v3 =	vmul.u32 $0x2710, v14  }
0x78: {  	v63 =	vmul.u32 $0x2710, v58;
	[tilespmem:$0x1C0] =	vst v2;
	v2 =	vadd.s32 v12, v62  }
0x79: {  	[tilespmem:$0x1D0] =	vst v2;
	v2 =	vadd.s32 v60, v3  }
.Ltmp4:
0x7a: {  	s23 =	rddreg [dreg:$0x11];
	[tilespmem:$0x1E0] =	vst v2;
	v2 =	vadd.s32 v61, v63;
	(pc) =	sbr.rel .LBB2_6-.Ltmp4, $4  }
0x7b: {  	s22 =	rddreg [dreg:$0x10];
	[tilespmem:$0x1F0] =	vst v2  }
0x7c: {  	[tilespmem:s24], [sflag:$0x1] =	stream.indirect.gather [hbm4b:s5+s29], $0x80, s30, s29, $0xb8;
	[tilespmem:$0x1E780] =	vst v63  }
0x7d: {  	s8 =	rddreg [dreg:$0xc]  }
0x7e: {  	[tilespmem:s0], [sflag:$0x1] =	stream.indirect.gather [hbm4b:s5+s29], $0x80, s31, s29, $0xb8;
	[tilespmem:$0x1E780] =	vst v63  }
.LBB2_10:
0x7f: {  	_ =	swait.ge [sflag:s20], $0x2000  }
0x80: {  	[sflag:s20] =	ssyncset.done $0x0  }
0x81: {  	[sflag:s20] =	ssyncadd.s32 $0xFFFFE000  }
0x82: {  	_ =	swait.ge [sflag:s20], $0x2000  }
0x83: {  	[sflag:s20] =	ssyncset.done $0x0  }
0x84: {  	[sflag:s20] =	ssyncadd.s32 $0xFFFFE000  }
0x85: {  	[spmem:s3] =	stream.indirect.scatter.add.f32 [tilespmem:s12], [sflag:$0x3], $0x80, s10, s26, $0xb8;
	[tilespmem:$0x1E780] =	vst v63  }
0x86: {  	_ =	swait.ge [sflag:s25], $0x4000  }
0x87: {  	[sflag:s25] =	ssyncset.done $0x0  }
0x88: {  	[sflag:s25] =	ssyncadd.s32 $0xFFFFC000  }
0x89: {  	v2 =	vld [tilespmem:$0x300];
	_ =	sdelay $0x7  }
0x8a: {  	[tilespmem:v2+s19+$0x0] =	vst.idx.add.f32.msk $0xffff, v1  }
0x8b: {  	v2 =	vld [tilespmem:$0x310];
	_ =	sdelay $0x7  }
0x8c: {  	[tilespmem:v2+s19+$0x0] =	vst.idx.add.f32.msk $0xffff, v1  }
0x8d: {  	v2 =	vld [tilespmem:$0x320];
	_ =	sdelay $0x7  }
0x8e: {  	[tilespmem:v2+s19+$0x0] =	vst.idx.add.f32.msk $0xffff, v1  }
0x8f: {  	v2 =	vld [tilespmem:$0x330];
	_ =	sdelay $0x7  }
0x90: {  	[tilespmem:v2+s19+$0x0] =	vst.idx.add.f32.msk $0xffff, v1  }
0x91: {  	v2 =	vld [tilespmem:$0x340];
	_ =	sdelay $0x7  }
0x92: {  	[tilespmem:v2+s19+$0x0] =	vst.idx.add.f32.msk $0xffff, v1  }
0x93: {  	v2 =	vld [tilespmem:$0x350];
	_ =	sdelay $0x7  }
0x94: {  	[tilespmem:v2+s19+$0x0] =	vst.idx.add.f32.msk $0xffff, v1  }
0x95: {  	v2 =	vld [tilespmem:$0x360];
	_ =	sdelay $0x7  }
0x96: {  	[tilespmem:v2+s19+$0x0] =	vst.idx.add.f32.msk $0xffff, v1  }
0x97: {  	v2 =	vld [tilespmem:$0x370];
	_ =	sdelay $0x1  }
0x98: {  	s8 =	sadd.s32 $0xFFFFFFFF, s8  }
0x99: {  	p0 =	sne.s32 s8, $0x0  }
.Ltmp5:
0x9a: {  	_ = 	snop;
	(pc) =	sbr.rel @!p0 .LBB2_11-.Ltmp5, $2  }
0x9b: {  	_ =	sdelay $0x2  }
0x9c: {  	s22 =	sadd.s32 $0x20, s22;
	s23 =	sadd.s32 $0x20, s23;
	[tilespmem:v2+s19+$0x0] =	vst.idx.add.f32.msk $0xffff, v1  }
.LBB2_6:
0x9d: {  	p0 =	sge.u32 s21, s18  }
.Ltmp6:
0x9e: {  	_ = 	snop;
	(pc) =	sbr.rel @p0 .LBB2_8-.Ltmp6, $1  }
0x9f: {  	_ =	sdelay $0x3  }
0xa0: {  	s17 =	sadd.s32 s22, s1  }
0xa1: {  	[tilespmem:s2], [sflag:$0x3] =	stream.linear.gather [hbm4b:s17+s4], $0x80, $0x38;
	[tilespmem:$0x1E780] =	vst v63  }
0xa2: {  	_ =	swait.ge [sflag:s25], $0x80  }
0xa3: {  	[sflag:s25] =	ssyncset.done $0x0  }
0xa4: {  	s17 =	sadd.s32 s22, s6;
	[sflag:s25] =	ssyncadd.s32 $0xFFFFFF80  }
0xa5: {  	[tilespmem:s9], [sflag:$0x3] =	stream.linear.gather [hbm4b:s17+s4], $0x80, $0x38;
	[tilespmem:$0x1E780] =	vst v63  }
0xa6: {  	_ =	swait.ge [sflag:s25], $0x80  }
0xa7: {  	[sflag:s25] =	ssyncset.done $0x0  }
0xa8: {  	s17 =	sadd.s32 s22, s7;
	[sflag:s25] =	ssyncadd.s32 $0xFFFFFF80  }
0xa9: {  	[tilespmem:s10], [sflag:$0x3] =	stream.linear.gather [hbm4b:s17+s4], $0x80, $0x38;
	[tilespmem:$0x1E780] =	vst v63  }
0xaa: {  	_ =	swait.ge [sflag:s25], $0x80  }
0xab: {  	[sflag:s25] =	ssyncset.done $0x0  }
0xac: {  	[sflag:s25] =	ssyncadd.s32 $0xFFFFFF80  }
0xad: {  	v2 =	vld [tilespmem:$0x200]  }
0xae: {  	v3 =	vld [tilespmem:$0x280]  }
0xaf: {  	v4 =	vld [tilespmem:$0x210]  }
0xb0: {  	v5 =	vld [tilespmem:$0x290]  }
0xb1: {  	v6 =	vld [tilespmem:$0x220]  }
0xb2: {  	v7 =	vld [tilespmem:$0x2A0]  }
0xb3: {  	v8 =	vld [tilespmem:$0x230]  }
0xb4: {  	v9 =	vld [tilespmem:$0x2B0]  }
0xb5: {  	v10 =	vld [tilespmem:$0x240]  }
0xb6: {  	v11 =	vld [tilespmem:$0x2C0]  }
0xb7: {  	v12 =	vld [tilespmem:$0x250]  }
0xb8: {  	v13 =	vld [tilespmem:$0x2D0];
	v3 =	vmul.u32 $0x2710, v3  }
0xb9: {  	v14 =	vld [tilespmem:$0x2E0];
	v5 =	vmul.u32 $0x2710, v5  }
0xba: {  	v58 =	vld [tilespmem:$0x2F0];
	v2 =	vadd.s32 v2, v3;
	v3 =	vmul.u32 $0x2710, v7  }
0xbb: {  	v60 =	vld [tilespmem:$0x260];
	v59 =	vmul.u32 $0x2710, v9;
	[tilespmem:$0x380] =	vst v2;
	v2 =	vadd.s32 v4, v5  }
0xbc: {  	v61 =	vld [tilespmem:$0x270];
	[tilespmem:$0x390] =	vst v2;
	v2 =	vadd.s32 v6, v3;
	v3 =	vmul.u32 $0x2710, v11  }
0xbd: {  	v62 =	vmul.u32 $0x2710, v13;
	[tilespmem:$0x3A0] =	vst v2;
	v2 =	vadd.s32 v8, v59  }
0xbe: {  	[tilespmem:$0x3B0] =	vst v2;
	v2 =	vadd.s32 v10, v3;
	v3 =	vmul.u32 $0x2710, v14  }
0xbf: {  	v63 =	vmul.u32 $0x2710, v58;
	[tilespmem:$0x3C0] =	vst v2;
	v2 =	vadd.s32 v12, v62  }
0xc0: {  	[tilespmem:$0x3D0] =	vst v2;
	v2 =	vadd.s32 v60, v3  }
0xc1: {  	[tilespmem:$0x3E0] =	vst v2;
	v2 =	vadd.s32 v61, v63  }
0xc2: {  	[tilespmem:$0x3F0] =	vst v2  }
0xc3: {  	[tilespmem:s12], [sflag:$0x2] =	stream.indirect.gather [hbm4b:s5+s29], $0x80, s11, s29, $0xb8;
	[tilespmem:$0x1E780] =	vst v63  }
0xc4: {  	_ = 	snop  }
0xc5: {  	[tilespmem:s15], [sflag:$0x2] =	stream.indirect.gather [hbm4b:s5+s29], $0x80, s14, s29, $0xb8;
	[tilespmem:$0x1E780] =	vst v63  }
.LBB2_8:
0xc6: {  	_ =	swait.ge [sflag:s16], $0x2000  }
0xc7: {  	[sflag:s16] =	ssyncset.done $0x0  }
0xc8: {  	[sflag:s16] =	ssyncadd.s32 $0xFFFFE000  }
0xc9: {  	_ =	swait.ge [sflag:s16], $0x2000  }
0xca: {  	[sflag:s16] =	ssyncset.done $0x0  }
0xcb: {  	[sflag:s16] =	ssyncadd.s32 $0xFFFFE000  }
0xcc: {  	[spmem:s3] =	stream.indirect.scatter.add.f32 [tilespmem:s24], [sflag:$0x3], $0x80, s28, s26, $0xb8;
	[tilespmem:$0x1E780] =	vst v63  }
0xcd: {  	_ =	swait.ge [sflag:s25], $0x4000  }
0xce: {  	[sflag:s25] =	ssyncset.done $0x0  }
0xcf: {  	[sflag:s25] =	ssyncadd.s32 $0xFFFFC000  }
0xd0: {  	v2 =	vld [tilespmem:$0x100];
	_ =	sdelay $0x7  }
0xd1: {  	[tilespmem:v2+s19+$0x0] =	vst.idx.add.f32.msk $0xffff, v1  }
0xd2: {  	v2 =	vld [tilespmem:$0x110];
	_ =	sdelay $0x7  }
0xd3: {  	[tilespmem:v2+s19+$0x0] =	vst.idx.add.f32.msk $0xffff, v1  }
0xd4: {  	v2 =	vld [tilespmem:$0x120];
	_ =	sdelay $0x7  }
0xd5: {  	[tilespmem:v2+s19+$0x0] =	vst.idx.add.f32.msk $0xffff, v1  }
0xd6: {  	v2 =	vld [tilespmem:$0x130];
	_ =	sdelay $0x7  }
0xd7: {  	[tilespmem:v2+s19+$0x0] =	vst.idx.add.f32.msk $0xffff, v1  }
0xd8: {  	v2 =	vld [tilespmem:$0x140];
	_ =	sdelay $0x7  }
0xd9: {  	[tilespmem:v2+s19+$0x0] =	vst.idx.add.f32.msk $0xffff, v1  }
0xda: {  	v2 =	vld [tilespmem:$0x150];
	_ =	sdelay $0x7  }
0xdb: {  	[tilespmem:v2+s19+$0x0] =	vst.idx.add.f32.msk $0xffff, v1  }
0xdc: {  	v2 =	vld [tilespmem:$0x160];
	_ =	sdelay $0x7  }
0xdd: {  	[tilespmem:v2+s19+$0x0] =	vst.idx.add.f32.msk $0xffff, v1  }
0xde: {  	v2 =	vld [tilespmem:$0x170];
	_ =	sdelay $0x1  }
0xdf: {  	s21 =	sadd.s32 $0x2, s21  }
0xe0: {  	p0 =	sge.u32 s21, s13  }
.Ltmp7:
0xe1: {  	_ = 	snop;
	(pc) =	sbr.rel @p0 .LBB2_10-.Ltmp7, $2  }
0xe2: {  	_ =	sdelay $0x2  }
0xe3: {  	[tilespmem:v2+s19+$0x0] =	vst.idx.add.f32.msk $0xffff, v1  }
0xe4: {  	s17 =	sadd.s32 s23, s1  }
0xe5: {  	[tilespmem:s4], [sflag:$0x3] =	stream.linear.gather [hbm4b:s17+s4], $0x80, $0x38;
	[tilespmem:$0x1E780] =	vst v63  }
0xe6: {  	_ =	swait.ge [sflag:s25], $0x80  }
0xe7: {  	[sflag:s25] =	ssyncset.done $0x0  }
0xe8: {  	s17 =	sadd.s32 s23, s6;
	[sflag:s25] =	ssyncadd.s32 $0xFFFFFF80  }
0xe9: {  	[tilespmem:s26], [sflag:$0x3] =	stream.linear.gather [hbm4b:s17+s4], $0x80, $0x38;
	[tilespmem:$0x1E780] =	vst v63  }
0xea: {  	_ =	swait.ge [sflag:s25], $0x80  }
0xeb: {  	[sflag:s25] =	ssyncset.done $0x0  }
0xec: {  	s17 =	sadd.s32 s23, s7;
	[sflag:s25] =	ssyncadd.s32 $0xFFFFFF80  }
0xed: {  	[tilespmem:s28], [sflag:$0x3] =	stream.linear.gather [hbm4b:s17+s4], $0x80, $0x38;
	[tilespmem:$0x1E780] =	vst v63  }
0xee: {  	_ =	swait.ge [sflag:s25], $0x80  }
0xef: {  	[sflag:s25] =	ssyncset.done $0x0  }
0xf0: {  	[sflag:s25] =	ssyncadd.s32 $0xFFFFFF80  }
0xf1: {  	v2 =	vld [tilespmem:$0x0]  }
0xf2: {  	v3 =	vld [tilespmem:$0x80]  }
0xf3: {  	v4 =	vld [tilespmem:$0x10]  }
0xf4: {  	v5 =	vld [tilespmem:$0x90]  }
0xf5: {  	v6 =	vld [tilespmem:$0x20]  }
0xf6: {  	v7 =	vld [tilespmem:$0xA0]  }
0xf7: {  	v8 =	vld [tilespmem:$0x30]  }
0xf8: {  	v9 =	vld [tilespmem:$0xB0]  }
0xf9: {  	v10 =	vld [tilespmem:$0x40]  }
0xfa: {  	v11 =	vld [tilespmem:$0xC0]  }
0xfb: {  	v12 =	vld [tilespmem:$0x50]  }
0xfc: {  	v13 =	vld [tilespmem:$0xD0];
	v3 =	vmul.u32 $0x2710, v3  }
0xfd: {  	v14 =	vld [tilespmem:$0xE0];
	v5 =	vmul.u32 $0x2710, v5  }
0xfe: {  	v58 =	vld [tilespmem:$0xF0];
	v2 =	vadd.s32 v2, v3;
	v3 =	vmul.u32 $0x2710, v7  }
0xff: {  	v60 =	vld [tilespmem:$0x60];
	v59 =	vmul.u32 $0x2710, v9;
	[tilespmem:$0x180] =	vst v2;
	v2 =	vadd.s32 v4, v5  }
0x100: {  	v61 =	vld [tilespmem:$0x70];
	[tilespmem:$0x190] =	vst v2;
	v2 =	vadd.s32 v6, v3;
	v3 =	vmul.u32 $0x2710, v11  }
0x101: {  	v62 =	vmul.u32 $0x2710, v13;
	[tilespmem:$0x1A0] =	vst v2;
	v2 =	vadd.s32 v8, v59  }
0x102: {  	[tilespmem:$0x1B0] =	vst v2;
	v2 =	vadd.s32 v10, v3;
	v3 =	vmul.u32 $0x2710, v14  }
0x103: {  	v63 =	vmul.u32 $0x2710, v58;
	[tilespmem:$0x1C0] =	vst v2;
	v2 =	vadd.s32 v12, v62  }
0x104: {  	[tilespmem:$0x1D0] =	vst v2;
	v2 =	vadd.s32 v60, v3  }
.Ltmp8:
0x105: {  	[tilespmem:$0x1E0] =	vst v2;
	v2 =	vadd.s32 v61, v63;
	(pc) =	sbr.rel .LBB2_10-.Ltmp8, $4  }
0x106: {  	[tilespmem:$0x1F0] =	vst v2  }
0x107: {  	[tilespmem:s24], [sflag:$0x1] =	stream.indirect.gather [hbm4b:s5+s29], $0x80, s30, s29, $0xb8;
	[tilespmem:$0x1E780] =	vst v63  }
0x108: {  	_ = 	snop  }
0x109: {  	[tilespmem:s0], [sflag:$0x1] =	stream.indirect.gather [hbm4b:s5+s29], $0x80, s31, s29, $0xb8;
	[tilespmem:$0x1E780] =	vst v63  }
.LBB2_12:
0x10a: {  	_ =	sfence.sel $0x180000  }
0x10b: {  	[bflag:$0x0] =	sbarrier.arrive $0xFFFF  }
0x10c: {  	_ =	strace $0x90000047  }
0x10d: {  	s0 =	stileid.u32;
	[bflag:$0x2] =	sbarrier.arrive $0xFFFF  }
0x10e: {  	p0 =	sne.s32 s0, $0x0;
	s0 =	rddreg [dreg:$0x3]  }
0x10f: {  	s0 =	sadd.s32 @!p0 $0x100000, s0  }
0x110: {  	[sflag:s0] =	ssyncadd.tile.s32 @!p0 $0x1;
	_ =	shalt  }
.Lfunc_end2:
_tile_overlayer_lowered:
.L_overlay_start_2:
0x111: {  	(tag) =	ssettag $0x2  }
0x112: {  	s0 =	rddreg [dreg:$0x0];
	s2 =	stileid.u32  }
0x113: {  	s1 =	rddreg [dreg:$0x1];
	p0 =	sne.s32 s2, $0x0  }
0x114: {  	s3 =	rddreg [dreg:$0x2];
	[bflag:$0x3] =	sbarrier.arrive $0xFFFF;
	s2 =	simm.s32 @!p0 $0x1C03  }
0x115: {  	[timem:s3], [sflag:s2] =	dma.local @!p0 [hbm:s0], s1  }
0x116: {  	s0 =	simm.s32 @!p0 $0x3  }
0x117: {  	_ =	swait.ge @!p0 [sflag:s0], s1  }
0x118: {  	s1 =	ssub.s32 @!p0 $0x0, s1;
	[sflag:s0] =	ssyncset.done @!p0 $0x0  }
0x119: {  	[sflag:s0] =	ssyncadd.s32 @!p0 s1  }
0x11a: {  	[bflag:$0x3] =	sbarrier.arrive $0xFFFF  }
0x11b: {  	_ =	shalt  }

</sc_bundles>
